<compile_context>
chip_gen: v7x
topology: tpu7x:2x2x1
jax: 0.10.2.dev20260603
libtpu: 0.0.44.dev20260713+nightly
codegen_flags: <defaults>
</compile_context>

<pallas_src>
import functools

import jax
import jax.numpy as jnp
from jax import lax
from jax.experimental import pallas as pl
from jax.experimental.pallas import tpu as pltpu
from jax.experimental.pallas import tpu_sc as plsc

N_NODES = 10000
E = 160000
D_IN = 256
D_OUT = 256

NC = 2
NS = 16

N_PAD = 10240
TRASH = N_NODES
CHUNK = 88
NBUF = 3
EDGES_PER_TILE = E // NS
FULL = EDGES_PER_TILE // CHUNK
NCH = FULL + 1
REM_OFF = EDGES_PER_TILE - CHUNK
ROWS_PER_TILE = N_PAD // NS
ZR = 80


def _seg_sum_sc(feat, dst3):

    mesh = plsc.VectorSubcoreMesh(core_axis_name="c", subcore_axis_name="s")

    @functools.partial(
        pl.kernel,
        mesh=mesh,
        out_type=jax.ShapeDtypeStruct((NC, N_PAD, 128), jnp.float32),
        scratch_types=[
            pltpu.VMEM((NCH, CHUNK), jnp.int32),
            pltpu.VMEM((NBUF, CHUNK, 128), jnp.float32),
            pltpu.VMEM_SHARED((N_PAD, 128), jnp.float32),
            pltpu.SemaphoreType.DMA,
            pltpu.SemaphoreType.DMA,
            pltpu.SemaphoreType.DMA,
            pltpu.SemaphoreType.DMA,
            pltpu.SemaphoreType.DMA,
            pltpu.SemaphoreType.DMA,
            pltpu.SemaphoreType.DMA,
        ],
    )
    def seg_sum(
        feat_hbm, dst_hbm, out_hbm, idx_v, bufs, shared,
        gsem0, gsem1, gsem2, ssem0, ssem1, ssem2, isem
    ):
        c = lax.axis_index("c")
        s = lax.axis_index("s")
        gsems = (gsem0, gsem1, gsem2)
        ssems = (ssem0, ssem1, ssem2)

        def start_gather(j, b):
            e0 = s * EDGES_PER_TILE + jnp.where(j < FULL, j * CHUNK, REM_OFF)
            pltpu.async_copy(
                feat_hbm.at[pl.ds(e0, CHUNK), pl.ds(c * 128, 128)],
                bufs.at[b],
                gsems[b],
            )

        def wait_gather(b):
            pltpu.make_async_copy(
                feat_hbm.at[pl.ds(0, CHUNK), pl.ds(0, 128)], bufs.at[b], gsems[b]
            ).wait()

        def start_scatter(j, b):
            pltpu.async_copy(
                bufs.at[b], shared.at[idx_v.at[j]], ssems[b], add=True
            )

        def wait_scatter(b):
            pltpu.make_async_copy(
                bufs.at[b], shared.at[idx_v.at[0]], ssems[b]
            ).wait()

        start_gather(0, 0)
        start_gather(1, 1)
        pltpu.async_copy(dst_hbm.at[s], idx_v, isem)

        def zrow(i, _):
            for k in range(8):
                bufs[2, i, pl.ds(k * 16, 16)] = jnp.zeros((16,), jnp.float32)
            return 0

        lax.fori_loop(0, ZR, zrow, 0)

        def zcp(t, _):
            pltpu.sync_copy(
                bufs.at[2, pl.ds(0, ZR)],
                shared.at[pl.ds(s * ROWS_PER_TILE + t * ZR, ZR)],
            )
            return 0

        lax.fori_loop(0, ROWS_PER_TILE // ZR, zcp, 0)

        pltpu.make_async_copy(dst_hbm.at[s], idx_v, isem).wait()

        plsc.subcore_barrier()


        def chunk_step(j, b):
            bp = (b + 2) % NBUF
            wait_gather(b)

            @pl.when(j >= 1)
            def _():
                wait_scatter(bp)

            @pl.when(j + 2 < NCH)
            def _():
                start_gather(j + 2, bp)

            start_scatter(j, b)

        def triple(i, _):
            j0 = NBUF * i
            for b in range(NBUF):
                chunk_step(j0 + b, b)
            return 0

        lax.fori_loop(0, NCH // NBUF, triple, 0)
        wait_scatter((NCH - 1) % NBUF)

        plsc.subcore_barrier()

        pltpu.sync_copy(
            shared.at[pl.ds(s * ROWS_PER_TILE, ROWS_PER_TILE)],
            out_hbm.at[c, pl.ds(s * ROWS_PER_TILE, ROWS_PER_TILE)],
        )

    return seg_sum(feat, dst3)


BN = 2000


def _mm_body(h_ref, w_ref, b_ref, o_ref):
    h0 = h_ref[0]
    h1 = h_ref[1]
    w = w_ref[...]
    dn = (((1,), (1,)), ((), ()))
    acc = lax.dot_general(h0, w[:, :128], dn, preferred_element_type=jnp.float32)
    acc = acc + lax.dot_general(
        h1, w[:, 128:], dn, preferred_element_type=jnp.float32
    )
    o_ref[...] = acc + b_ref[...]


def _linear_tc(h2, W, b2):
    return pl.pallas_call(
        _mm_body,
        grid=(N_NODES // BN,),
        in_specs=[
            pl.BlockSpec((NC, BN, 128), lambda i: (0, i, 0)),
            pl.BlockSpec((D_OUT, D_IN), lambda i: (0, 0)),
            pl.BlockSpec((1, D_OUT), lambda i: (0, 0)),
        ],
        out_specs=pl.BlockSpec((BN, D_OUT), lambda i: (i, 0)),
        out_shape=jax.ShapeDtypeStruct((N_NODES, D_OUT), jnp.float32),
    )(h2, W, b2)


def kernel(features, edge_index, W, b):
    dst = edge_index[1].astype(jnp.int32).reshape(NS, EDGES_PER_TILE)
    full = dst[:, : FULL * CHUNK].reshape(NS, FULL, CHUNK)
    rem = dst[:, REM_OFF:]
    lane = jnp.arange(CHUNK, dtype=jnp.int32)
    rem = jnp.where(lane >= CHUNK - (EDGES_PER_TILE - FULL * CHUNK), rem, TRASH)
    dst3 = jnp.concatenate([full, rem[:, None, :]], axis=1)
    h2 = _seg_sum_sc(features, dst3)
    out = _linear_tc(h2, W, b.reshape(1, D_OUT))
    return out

# --- scband reference (transcript-rebuilt; emitter-appended) ---
"""Pipeline reference for scband-edge-layer-214748364927 (READ-ONLY COPY).

The authoritative reference and input builder live on the scoring server;
editing this copy changes nothing except your own understanding.
"""

import jax, jax.numpy as jnp
import numpy as np

N_NODES = 10000
E = 160000
D_IN = 256
D_OUT = 256


def setup_inputs(seed: int = 0) -> dict:
    key = jax.random.key(seed)
    k1, k2, k3, k4 = jax.random.split(key, 4)
    features = jax.random.normal(k1, (E, D_IN), dtype=jnp.float32)
    edge_index = jax.random.randint(k2, (2, E), 0, N_NODES, dtype=jnp.int64)
    # nn.Linear(in_feats, out_feats) params
    limit = 1.0 / np.sqrt(D_IN)
    W = jax.random.uniform(k3, (D_OUT, D_IN), dtype=jnp.float32, minval=-limit, maxval=limit)
    b = jax.random.uniform(k4, (D_OUT,), dtype=jnp.float32, minval=-limit, maxval=limit)
    return {"features": features, "edge_index": edge_index, "W": W, "b": b}


def reference(features, edge_index, W, b):
    # copy_edge: message m = edge feature h; reduce: sum messages at dst node
    dst = edge_index[1]
    h = jax.ops.segment_sum(features, dst, num_segments=N_NODES)
    # linear projection of aggregated node features
    return h @ W.T + b

if __name__ == "__main__":
    import jax
    _d = setup_inputs()
    print(jax.jit(kernel)(*tuple(_d.values())))

</pallas_src>

<mosaic_0001>
#map = affine_map<(d0, d1) -> (0, 0)>
#map1 = affine_map<(d0, d1) -> (0, 0, 0)>
module attributes {stable_mosaic.version = 14 : i64} {
  func.func @seg_sum(%arg0: i32, %arg1: i32, %arg2: memref<160000x256xf32, #tpu.memory_space<hbm>>, %arg3: memref<16x114x88xi32, #tpu.memory_space<hbm>>, %arg4: memref<2x10240x128xf32, #tpu.memory_space<hbm>>, %arg5: memref<114x88xi32, #tpu.memory_space<vmem>>, %arg6: memref<3x88x128xf32, #tpu.memory_space<vmem>>, %arg7: memref<10240x128xf32, #tpu.memory_space<vmem_shared>>, %arg8: memref<!tpu.dma_semaphore, #tpu.memory_space<semaphore_mem>>, %arg9: memref<!tpu.dma_semaphore, #tpu.memory_space<semaphore_mem>>, %arg10: memref<!tpu.dma_semaphore, #tpu.memory_space<semaphore_mem>>, %arg11: memref<!tpu.dma_semaphore, #tpu.memory_space<semaphore_mem>>, %arg12: memref<!tpu.dma_semaphore, #tpu.memory_space<semaphore_mem>>, %arg13: memref<!tpu.dma_semaphore, #tpu.memory_space<semaphore_mem>>, %arg14: memref<!tpu.dma_semaphore, #tpu.memory_space<semaphore_mem>>) attributes {dimension_semantics = [#tpu.dimension_semantics<core_parallel>, #tpu.dimension_semantics<subcore_parallel>], iteration_bounds = array<i64: 2, 16>, scalar_prefetch = 0 : i64, scratch_operands = 10 : i64, tpu.core_type = #tpu.core_type<sc_vector_subcore>, window_params = [{transform_indices = #map}, {transform_indices = #map1}, {transform_indices = #map1}]} {
    %mul3A = arith.constant 10000 : i32
    %mul3A_0 = arith.muli %arg1, %mul3A : i32
    %jit3A = arith.constant true
    %jit3A_1 = arith.constant 0 : i32
    %jit3A_2 = arith.constant 9912 : i32
    %select_n3A = arith.select %jit3A, %jit3A_1, %jit3A_2 : i32
    %add3A = arith.addi %mul3A_0, %select_n3A : i32
    %mul3A_3 = arith.constant 128 : i32
    %mul3A_4 = arith.muli %arg0, %mul3A_3 : i32
    %dma_start3A = arith.constant 0 : i32
    %dma_start3A_5 = arith.constant 0 : i32
    %dma_start3A_6 = arith.constant 0 : i32
    %dma_start3A_7 = tpu.memref_slice %arg6[%dma_start3A, %dma_start3A_5, %dma_start3A_6] : memref<3x88x128xf32, #tpu.memory_space<vmem>> -> memref<1x88x128xf32, #tpu.memory_space<vmem>>
    %dma_start3A_8 = tpu.memref_squeeze %dma_start3A_7 : memref<1x88x128xf32, #tpu.memory_space<vmem>> -> memref<88x128xf32, #tpu.memory_space<vmem>>
    %dma_start3A_9 = tpu.memref_slice %arg2[%add3A, %mul3A_4] : memref<160000x256xf32, #tpu.memory_space<hbm>> -> memref<88x128xf32, #tpu.memory_space<hbm>>
    %dma_start3A_10 = arith.constant 0 : i32
    %dma_start3A_11 = arith.constant 0 : i32
    %dma_start3A_12 = tpu.memref_slice %arg6[%dma_start3A, %dma_start3A_10, %dma_start3A_11] : memref<3x88x128xf32, #tpu.memory_space<vmem>> -> memref<1x88x128xf32, #tpu.memory_space<vmem>>
    %dma_start3A_13 = tpu.memref_squeeze %dma_start3A_12 : memref<1x88x128xf32, #tpu.memory_space<vmem>> -> memref<88x128xf32, #tpu.memory_space<vmem>>
    %dma_start3A_14 = tpu.memref_slice %arg2[%add3A, %mul3A_4] : memref<160000x256xf32, #tpu.memory_space<hbm>> -> memref<88x128xf32, #tpu.memory_space<hbm>>
    tpu.enqueue_dma source(%dma_start3A_14 : memref<88x128xf32, #tpu.memory_space<hbm>>) target(%dma_start3A_13 : memref<88x128xf32, #tpu.memory_space<vmem>>) target_semaphore(%arg8 : memref<!tpu.dma_semaphore, #tpu.memory_space<semaphore_mem>>)
    %mul3A_15 = arith.constant 10000 : i32
    %mul3A_16 = arith.muli %arg1, %mul3A_15 : i32
    %jit3A_17 = arith.constant true
    %jit3A_18 = arith.constant 88 : i32
    %jit3A_19 = arith.constant 9912 : i32
    %select_n3A_20 = arith.select %jit3A_17, %jit3A_18, %jit3A_19 : i32
    %add3A_21 = arith.addi %mul3A_16, %select_n3A_20 : i32
    %mul3A_22 = arith.constant 128 : i32
    %mul3A_23 = arith.muli %arg0, %mul3A_22 : i32
    %dma_start3A_24 = arith.constant 1 : i32
    %dma_start3A_25 = arith.constant 0 : i32
    %dma_start3A_26 = arith.constant 0 : i32
    %dma_start3A_27 = tpu.memref_slice %arg6[%dma_start3A_24, %dma_start3A_25, %dma_start3A_26] : memref<3x88x128xf32, #tpu.memory_space<vmem>> -> memref<1x88x128xf32, #tpu.memory_space<vmem>>
    %dma_start3A_28 = tpu.memref_squeeze %dma_start3A_27 : memref<1x88x128xf32, #tpu.memory_space<vmem>> -> memref<88x128xf32, #tpu.memory_space<vmem>>
    %dma_start3A_29 = tpu.memref_slice %arg2[%add3A_21, %mul3A_23] : memref<160000x256xf32, #tpu.memory_space<hbm>> -> memref<88x128xf32, #tpu.memory_space<hbm>>
    %dma_start3A_30 = arith.constant 0 : i32
    %dma_start3A_31 = arith.constant 0 : i32
    %dma_start3A_32 = tpu.memref_slice %arg6[%dma_start3A_24, %dma_start3A_30, %dma_start3A_31] : memref<3x88x128xf32, #tpu.memory_space<vmem>> -> memref<1x88x128xf32, #tpu.memory_space<vmem>>
    %dma_start3A_33 = tpu.memref_squeeze %dma_start3A_32 : memref<1x88x128xf32, #tpu.memory_space<vmem>> -> memref<88x128xf32, #tpu.memory_space<vmem>>
    %dma_start3A_34 = tpu.memref_slice %arg2[%add3A_21, %mul3A_23] : memref<160000x256xf32, #tpu.memory_space<hbm>> -> memref<88x128xf32, #tpu.memory_space<hbm>>
    tpu.enqueue_dma source(%dma_start3A_34 : memref<88x128xf32, #tpu.memory_space<hbm>>) target(%dma_start3A_33 : memref<88x128xf32, #tpu.memory_space<vmem>>) target_semaphore(%arg9 : memref<!tpu.dma_semaphore, #tpu.memory_space<semaphore_mem>>)
    %dma_start3A_35 = arith.constant 0 : i32
    %dma_start3A_36 = arith.constant 0 : i32
    %dma_start3A_37 = tpu.memref_slice %arg3[%arg1, %dma_start3A_35, %dma_start3A_36] : memref<16x114x88xi32, #tpu.memory_space<hbm>> -> memref<1x114x88xi32, #tpu.memory_space<hbm>>
    %dma_start3A_38 = tpu.memref_squeeze %dma_start3A_37 : memref<1x114x88xi32, #tpu.memory_space<hbm>> -> memref<114x88xi32, #tpu.memory_space<hbm>>
    %dma_start3A_39 = arith.constant 0 : i32
    %dma_start3A_40 = arith.constant 0 : i32
    %dma_start3A_41 = tpu.memref_slice %arg3[%arg1, %dma_start3A_39, %dma_start3A_40] : memref<16x114x88xi32, #tpu.memory_space<hbm>> -> memref<1x114x88xi32, #tpu.memory_space<hbm>>
    %dma_start3A_42 = tpu.memref_squeeze %dma_start3A_41 : memref<1x114x88xi32, #tpu.memory_space<hbm>> -> memref<114x88xi32, #tpu.memory_space<hbm>>
    tpu.enqueue_dma source(%dma_start3A_42 : memref<114x88xi32, #tpu.memory_space<hbm>>) target(%arg5 : memref<114x88xi32, #tpu.memory_space<vmem>>) target_semaphore(%arg14 : memref<!tpu.dma_semaphore, #tpu.memory_space<semaphore_mem>>)
    %scan3A = arith.constant 0 : i32
    %scan3A_43 = arith.constant 0 : i32
    %scan3A_44 = arith.constant 80 : i32
    %scan3A_45 = arith.addi %scan3A_43, %scan3A_44 : i32
    %scan3A_46 = arith.constant 1 : i32
    %scan3A_47 = scf.for %scan3A_87 = %scan3A_43 to %scan3A_45 step %scan3A_46 iter_args(%scan3A_88 = %scan3A) -> (i32)  : i32 {
      %broadcast_in_dim3A = arith.constant 0.000000e+00 : f32
      %broadcast_in_dim3A_89 = vector.broadcast %broadcast_in_dim3A : f32 to vector<16xf32>
      %swap3A = arith.constant 2 : i32
      %swap3A_90 = arith.index_cast %swap3A : i32 to index
      %swap3A_91 = arith.index_cast %scan3A_87 : i32 to index
      %swap3A_92 = arith.constant 0 : index
      %swap3A_93 = tpu.vector_load %arg6[%swap3A_90, %swap3A_91, %swap3A_92] {strides = array<i32>} : memref<3x88x128xf32, #tpu.memory_space<vmem>>, vector<1x1x16xf32>,
      %swap3A_94 = vector.shape_cast %swap3A_93 : vector<1x1x16xf32> to vector<16xf32>
      %swap3A_95 = vector.shape_cast %broadcast_in_dim3A_89 : vector<16xf32> to vector<1x1x16xf32>
      tpu.vector_store %arg6[%swap3A_90, %swap3A_91, %swap3A_92], %swap3A_95 {strides = array<i32>} : memref<3x88x128xf32, #tpu.memory_space<vmem>>, vector<1x1x16xf32>,
      %broadcast_in_dim3A_96 = arith.constant 0.000000e+00 : f32
      %broadcast_in_dim3A_97 = vector.broadcast %broadcast_in_dim3A_96 : f32 to vector<16xf32>
      %swap3A_98 = arith.constant 2 : i32
      %swap3A_99 = arith.index_cast %swap3A_98 : i32 to index
      %swap3A_100 = arith.index_cast %scan3A_87 : i32 to index
      %swap3A_101 = arith.constant 16 : index
      %swap3A_102 = tpu.vector_load %arg6[%swap3A_99, %swap3A_100, %swap3A_101] {strides = array<i32>} : memref<3x88x128xf32, #tpu.memory_space<vmem>>, vector<1x1x16xf32>,
      %swap3A_103 = vector.shape_cast %swap3A_102 : vector<1x1x16xf32> to vector<16xf32>
      %swap3A_104 = vector.shape_cast %broadcast_in_dim3A_97 : vector<16xf32> to vector<1x1x16xf32>
      tpu.vector_store %arg6[%swap3A_99, %swap3A_100, %swap3A_101], %swap3A_104 {strides = array<i32>} : memref<3x88x128xf32, #tpu.memory_space<vmem>>, vector<1x1x16xf32>,
      %broadcast_in_dim3A_105 = arith.constant 0.000000e+00 : f32
      %broadcast_in_dim3A_106 = vector.broadcast %broadcast_in_dim3A_105 : f32 to vector<16xf32>
      %swap3A_107 = arith.constant 2 : i32
      %swap3A_108 = arith.index_cast %swap3A_107 : i32 to index
      %swap3A_109 = arith.index_cast %scan3A_87 : i32 to index
      %swap3A_110 = arith.constant 32 : index
      %swap3A_111 = tpu.vector_load %arg6[%swap3A_108, %swap3A_109, %swap3A_110] {strides = array<i32>} : memref<3x88x128xf32, #tpu.memory_space<vmem>>, vector<1x1x16xf32>,
      %swap3A_112 = vector.shape_cast %swap3A_111 : vector<1x1x16xf32> to vector<16xf32>
      %swap3A_113 = vector.shape_cast %broadcast_in_dim3A_106 : vector<16xf32> to vector<1x1x16xf32>
      tpu.vector_store %arg6[%swap3A_108, %swap3A_109, %swap3A_110], %swap3A_113 {strides = array<i32>} : memref<3x88x128xf32, #tpu.memory_space<vmem>>, vector<1x1x16xf32>,
      %broadcast_in_dim3A_114 = arith.constant 0.000000e+00 : f32
      %broadcast_in_dim3A_115 = vector.broadcast %broadcast_in_dim3A_114 : f32 to vector<16xf32>
      %swap3A_116 = arith.constant 2 : i32
      %swap3A_117 = arith.index_cast %swap3A_116 : i32 to index
      %swap3A_118 = arith.index_cast %scan3A_87 : i32 to index
      %swap3A_119 = arith.constant 48 : index
      %swap3A_120 = tpu.vector_load %arg6[%swap3A_117, %swap3A_118, %swap3A_119] {strides = array<i32>} : memref<3x88x128xf32, #tpu.memory_space<vmem>>, vector<1x1x16xf32>,
      %swap3A_121 = vector.shape_cast %swap3A_120 : vector<1x1x16xf32> to vector<16xf32>
      %swap3A_122 = vector.shape_cast %broadcast_in_dim3A_115 : vector<16xf32> to vector<1x1x16xf32>
      tpu.vector_store %arg6[%swap3A_117, %swap3A_118, %swap3A_119], %swap3A_122 {strides = array<i32>} : memref<3x88x128xf32, #tpu.memory_space<vmem>>, vector<1x1x16xf32>,
      %broadcast_in_dim3A_123 = arith.constant 0.000000e+00 : f32
      %broadcast_in_dim3A_124 = vector.broadcast %broadcast_in_dim3A_123 : f32 to vector<16xf32>
      %swap3A_125 = arith.constant 2 : i32
      %swap3A_126 = arith.index_cast %swap3A_125 : i32 to index
      %swap3A_127 = arith.index_cast %scan3A_87 : i32 to index
      %swap3A_128 = arith.constant 64 : index
      %swap3A_129 = tpu.vector_load %arg6[%swap3A_126, %swap3A_127, %swap3A_128] {strides = array<i32>} : memref<3x88x128xf32, #tpu.memory_space<vmem>>, vector<1x1x16xf32>,
      %swap3A_130 = vector.shape_cast %swap3A_129 : vector<1x1x16xf32> to vector<16xf32>
      %swap3A_131 = vector.shape_cast %broadcast_in_dim3A_124 : vector<16xf32> to vector<1x1x16xf32>
      tpu.vector_store %arg6[%swap3A_126, %swap3A_127, %swap3A_128], %swap3A_131 {strides = array<i32>} : memref<3x88x128xf32, #tpu.memory_space<vmem>>, vector<1x1x16xf32>,
      %broadcast_in_dim3A_132 = arith.constant 0.000000e+00 : f32
      %broadcast_in_dim3A_133 = vector.broadcast %broadcast_in_dim3A_132 : f32 to vector<16xf32>
      %swap3A_134 = arith.constant 2 : i32
      %swap3A_135 = arith.index_cast %swap3A_134 : i32 to index
      %swap3A_136 = arith.index_cast %scan3A_87 : i32 to index
      %swap3A_137 = arith.constant 80 : index
      %swap3A_138 = tpu.vector_load %arg6[%swap3A_135, %swap3A_136, %swap3A_137] {strides = array<i32>} : memref<3x88x128xf32, #tpu.memory_space<vmem>>, vector<1x1x16xf32>,
      %swap3A_139 = vector.shape_cast %swap3A_138 : vector<1x1x16xf32> to vector<16xf32>
      %swap3A_140 = vector.shape_cast %broadcast_in_dim3A_133 : vector<16xf32> to vector<1x1x16xf32>
      tpu.vector_store %arg6[%swap3A_135, %swap3A_136, %swap3A_137], %swap3A_140 {strides = array<i32>} : memref<3x88x128xf32, #tpu.memory_space<vmem>>, vector<1x1x16xf32>,
      %broadcast_in_dim3A_141 = arith.constant 0.000000e+00 : f32
      %broadcast_in_dim3A_142 = vector.broadcast %broadcast_in_dim3A_141 : f32 to vector<16xf32>
      %swap3A_143 = arith.constant 2 : i32
      %swap3A_144 = arith.index_cast %swap3A_143 : i32 to index
      %swap3A_145 = arith.index_cast %scan3A_87 : i32 to index
      %swap3A_146 = arith.constant 96 : index
      %swap3A_147 = tpu.vector_load %arg6[%swap3A_144, %swap3A_145, %swap3A_146] {strides = array<i32>} : memref<3x88x128xf32, #tpu.memory_space<vmem>>, vector<1x1x16xf32>,
      %swap3A_148 = vector.shape_cast %swap3A_147 : vector<1x1x16xf32> to vector<16xf32>
      %swap3A_149 = vector.shape_cast %broadcast_in_dim3A_142 : vector<16xf32> to vector<1x1x16xf32>
      tpu.vector_store %arg6[%swap3A_144, %swap3A_145, %swap3A_146], %swap3A_149 {strides = array<i32>} : memref<3x88x128xf32, #tpu.memory_space<vmem>>, vector<1x1x16xf32>,
      %broadcast_in_dim3A_150 = arith.constant 0.000000e+00 : f32
      %broadcast_in_dim3A_151 = vector.broadcast %broadcast_in_dim3A_150 : f32 to vector<16xf32>
      %swap3A_152 = arith.constant 2 : i32
      %swap3A_153 = arith.index_cast %swap3A_152 : i32 to index
      %swap3A_154 = arith.index_cast %scan3A_87 : i32 to index
      %swap3A_155 = arith.constant 112 : index
      %swap3A_156 = tpu.vector_load %arg6[%swap3A_153, %swap3A_154, %swap3A_155] {strides = array<i32>} : memref<3x88x128xf32, #tpu.memory_space<vmem>>, vector<1x1x16xf32>,
      %swap3A_157 = vector.shape_cast %swap3A_156 : vector<1x1x16xf32> to vector<16xf32>
      %swap3A_158 = vector.shape_cast %broadcast_in_dim3A_151 : vector<16xf32> to vector<1x1x16xf32>
      tpu.vector_store %arg6[%swap3A_153, %swap3A_154, %swap3A_155], %swap3A_158 {strides = array<i32>} : memref<3x88x128xf32, #tpu.memory_space<vmem>>, vector<1x1x16xf32>,
      %scan3A_159 = arith.constant 0 : i32
      scf.yield %scan3A_159 : i32
    }
    %scan3A_48 = arith.constant 80 : i32
    %scan3A_49 = arith.constant 0 : i32
    %scan3A_50 = arith.constant 0 : i32
    %scan3A_51 = arith.constant 8 : i32
    %scan3A_52 = arith.addi %scan3A_50, %scan3A_51 : i32
    %scan3A_53 = arith.constant 1 : i32
    %scan3A_54 = scf.for %scan3A_87 = %scan3A_50 to %scan3A_52 step %scan3A_53 iter_args(%scan3A_88 = %scan3A_49) -> (i32)  : i32 {
      %mul3A_89 = arith.constant 640 : i32
      %mul3A_90 = arith.muli %arg1, %mul3A_89 : i32
      %mul3A_91 = arith.constant 80 : i32
      %mul3A_92 = arith.muli %scan3A_87, %mul3A_91 : i32
      %add3A_93 = arith.addi %mul3A_90, %mul3A_92 : i32
      %run_scoped3A = arith.constant 2 : i32
      "tpu.region"() ({
        %run_scoped3A_95 = tpu.sem_alloc : memref<!tpu.dma_semaphore, #tpu.memory_space<semaphore_mem>>
        %dma_start3A_96 = arith.constant 0 : i32
        %dma_start3A_97 = arith.constant 0 : i32
        %dma_start3A_98 = tpu.memref_slice %arg6[%run_scoped3A, %dma_start3A_96, %dma_start3A_97] : memref<3x88x128xf32, #tpu.memory_space<vmem>> -> memref<1x80x128xf32, #tpu.memory_space<vmem>>
        %dma_start3A_99 = tpu.memref_squeeze %dma_start3A_98 : memref<1x80x128xf32, #tpu.memory_space<vmem>> -> memref<80x128xf32, #tpu.memory_space<vmem>>
        %dma_start3A_100 = arith.constant 0 : i32
        %dma_start3A_101 = tpu.memref_slice %arg7[%add3A_93, %dma_start3A_100] : memref<10240x128xf32, #tpu.memory_space<vmem_shared>> -> memref<80x128xf32, #tpu.memory_space<vmem_shared>>
        %dma_start3A_102 = arith.constant 0 : i32
        %dma_start3A_103 = tpu.memref_slice %arg7[%add3A_93, %dma_start3A_102] : memref<10240x128xf32, #tpu.memory_space<vmem_shared>> -> memref<80x128xf32, #tpu.memory_space<vmem_shared>>
        %dma_start3A_104 = arith.constant 0 : i32
        %dma_start3A_105 = arith.constant 0 : i32
        %dma_start3A_106 = tpu.memref_slice %arg6[%run_scoped3A, %dma_start3A_104, %dma_start3A_105] : memref<3x88x128xf32, #tpu.memory_space<vmem>> -> memref<1x80x128xf32, #tpu.memory_space<vmem>>
        %dma_start3A_107 = tpu.memref_squeeze %dma_start3A_106 : memref<1x80x128xf32, #tpu.memory_space<vmem>> -> memref<80x128xf32, #tpu.memory_space<vmem>>
        tpu.enqueue_dma source(%dma_start3A_107 : memref<80x128xf32, #tpu.memory_space<vmem>>) target(%dma_start3A_103 : memref<80x128xf32, #tpu.memory_space<vmem_shared>>) target_semaphore(%run_scoped3A_95 : memref<!tpu.dma_semaphore, #tpu.memory_space<semaphore_mem>>)
        %dma_wait3A_108 = arith.constant 0 : i32
        %dma_wait3A_109 = arith.constant 0 : i32
        %dma_wait3A_110 = tpu.memref_slice %arg6[%run_scoped3A, %dma_wait3A_108, %dma_wait3A_109] : memref<3x88x128xf32, #tpu.memory_space<vmem>> -> memref<1x80x128xf32, #tpu.memory_space<vmem>>
        %dma_wait3A_111 = tpu.memref_squeeze %dma_wait3A_110 : memref<1x80x128xf32, #tpu.memory_space<vmem>> -> memref<80x128xf32, #tpu.memory_space<vmem>>
        %dma_wait3A_112 = arith.constant 0 : i32
        %dma_wait3A_113 = tpu.memref_slice %arg7[%add3A_93, %dma_wait3A_112] : memref<10240x128xf32, #tpu.memory_space<vmem_shared>> -> memref<80x128xf32, #tpu.memory_space<vmem_shared>>
        %dma_wait3A_114 = arith.constant 0 : i32
        %dma_wait3A_115 = tpu.memref_slice %arg7[%add3A_93, %dma_wait3A_114] : memref<10240x128xf32, #tpu.memory_space<vmem_shared>> -> memref<80x128xf32, #tpu.memory_space<vmem_shared>>
        %dma_wait3A_116 = arith.constant 0 : i32
        %dma_wait3A_117 = arith.constant 0 : i32
        %dma_wait3A_118 = tpu.memref_slice %arg6[%run_scoped3A, %dma_wait3A_116, %dma_wait3A_117] : memref<3x88x128xf32, #tpu.memory_space<vmem>> -> memref<1x80x128xf32, #tpu.memory_space<vmem>>
        %dma_wait3A_119 = tpu.memref_squeeze %dma_wait3A_118 : memref<1x80x128xf32, #tpu.memory_space<vmem>> -> memref<80x128xf32, #tpu.memory_space<vmem>>
        tpu.wait_dma2 semaphore(%run_scoped3A_95 : memref<!tpu.dma_semaphore, #tpu.memory_space<semaphore_mem>>) src(%dma_wait3A_119 : memref<80x128xf32, #tpu.memory_space<vmem>>) dst(%dma_wait3A_115 : memref<80x128xf32, #tpu.memory_space<vmem_shared>>)
        tpu.yield
      }) : () -> ()
      %scan3A_94 = arith.constant 0 : i32
      scf.yield %scan3A_94 : i32
    }
    %scan3A_55 = arith.constant 8 : i32
    %dma_wait3A = arith.constant 0 : i32
    %dma_wait3A_56 = arith.constant 0 : i32
    %dma_wait3A_57 = tpu.memref_slice %arg3[%arg1, %dma_wait3A, %dma_wait3A_56] : memref<16x114x88xi32, #tpu.memory_space<hbm>> -> memref<1x114x88xi32, #tpu.memory_space<hbm>>
    %dma_wait3A_58 = tpu.memref_squeeze %dma_wait3A_57 : memref<1x114x88xi32, #tpu.memory_space<hbm>> -> memref<114x88xi32, #tpu.memory_space<hbm>>
    %dma_wait3A_59 = arith.constant 0 : i32
    %dma_wait3A_60 = arith.constant 0 : i32
    %dma_wait3A_61 = tpu.memref_slice %arg3[%arg1, %dma_wait3A_59, %dma_wait3A_60] : memref<16x114x88xi32, #tpu.memory_space<hbm>> -> memref<1x114x88xi32, #tpu.memory_space<hbm>>
    %dma_wait3A_62 = tpu.memref_squeeze %dma_wait3A_61 : memref<1x114x88xi32, #tpu.memory_space<hbm>> -> memref<114x88xi32, #tpu.memory_space<hbm>>
    tpu.wait_dma2 semaphore(%arg14 : memref<!tpu.dma_semaphore, #tpu.memory_space<semaphore_mem>>) src(%dma_wait3A_62 : memref<114x88xi32, #tpu.memory_space<hbm>>) dst(%arg5 : memref<114x88xi32, #tpu.memory_space<vmem>>)
    %barrier3A = arith.constant 0 : index
    tpu.barrier barrier_id(%barrier3A)
    %scan3A_63 = arith.constant 0 : i32
    %scan3A_64 = arith.constant 0 : i32
    %scan3A_65 = arith.constant 38 : i32
    %scan3A_66 = arith.addi %scan3A_64, %scan3A_65 : i32
    %scan3A_67 = arith.constant 1 : i32
    %scan3A_68 = scf.for %scan3A_87 = %scan3A_64 to %scan3A_66 step %scan3A_67 iter_args(%scan3A_88 = %scan3A_63) -> (i32)  : i32 {
      %mul3A_89 = arith.constant 3 : i32
      %mul3A_90 = arith.muli %mul3A_89, %scan3A_87 : i32
      %add3A_91 = arith.constant 0 : i32
      %add3A_92 = arith.addi %mul3A_90, %add3A_91 : i32
      %dma_wait3A_93 = arith.constant 0 : i32
      %dma_wait3A_94 = arith.constant 0 : i32
      %dma_wait3A_95 = arith.constant 0 : i32
      %dma_wait3A_96 = tpu.memref_slice %arg6[%dma_wait3A_93, %dma_wait3A_94, %dma_wait3A_95] : memref<3x88x128xf32, #tpu.memory_space<vmem>> -> memref<1x88x128xf32, #tpu.memory_space<vmem>>
      %dma_wait3A_97 = tpu.memref_squeeze %dma_wait3A_96 : memref<1x88x128xf32, #tpu.memory_space<vmem>> -> memref<88x128xf32, #tpu.memory_space<vmem>>
      %dma_wait3A_98 = arith.constant 0 : i32
      %dma_wait3A_99 = arith.constant 0 : i32
      %dma_wait3A_100 = tpu.memref_slice %arg2[%dma_wait3A_98, %dma_wait3A_99] : memref<160000x256xf32, #tpu.memory_space<hbm>> -> memref<88x128xf32, #tpu.memory_space<hbm>>
      %dma_wait3A_101 = arith.constant 0 : i32
      %dma_wait3A_102 = arith.constant 0 : i32
      %dma_wait3A_103 = tpu.memref_slice %arg6[%dma_wait3A_93, %dma_wait3A_101, %dma_wait3A_102] : memref<3x88x128xf32, #tpu.memory_space<vmem>> -> memref<1x88x128xf32, #tpu.memory_space<vmem>>
      %dma_wait3A_104 = tpu.memref_squeeze %dma_wait3A_103 : memref<1x88x128xf32, #tpu.memory_space<vmem>> -> memref<88x128xf32, #tpu.memory_space<vmem>>
      %dma_wait3A_105 = arith.constant 0 : i32
      %dma_wait3A_106 = arith.constant 0 : i32
      %dma_wait3A_107 = tpu.memref_slice %arg2[%dma_wait3A_105, %dma_wait3A_106] : memref<160000x256xf32, #tpu.memory_space<hbm>> -> memref<88x128xf32, #tpu.memory_space<hbm>>
      tpu.wait_dma2 semaphore(%arg8 : memref<!tpu.dma_semaphore, #tpu.memory_space<semaphore_mem>>) src(%dma_wait3A_107 : memref<88x128xf32, #tpu.memory_space<hbm>>) dst(%dma_wait3A_104 : memref<88x128xf32, #tpu.memory_space<vmem>>)
      %ge3A = arith.constant 1 : i32
      %ge3A_108 = arith.cmpi sge, %add3A_92, %ge3A : i32
      %convert_element_type3A = arith.extui %ge3A_108 : i1 to i32
      %cond3A = arith.constant 0 : i32
      %cond3A_109 = arith.cmpi ne, %convert_element_type3A, %cond3A : i32
      scf.if %cond3A_109 {
        %dma_wait3A_208 = arith.constant 2 : i32
        %dma_wait3A_209 = arith.constant 0 : i32
        %dma_wait3A_210 = arith.constant 0 : i32
        %dma_wait3A_211 = arith.constant 0 : i32
        %dma_wait3A_212 = tpu.memref_slice %arg6[%dma_wait3A_208, %dma_wait3A_210, %dma_wait3A_211] : memref<3x88x128xf32, #tpu.memory_space<vmem>> -> memref<1x88x128xf32, #tpu.memory_space<vmem>>
        %dma_wait3A_213 = tpu.memref_squeeze %dma_wait3A_212 : memref<1x88x128xf32, #tpu.memory_space<vmem>> -> memref<88x128xf32, #tpu.memory_space<vmem>>
        %dma_wait3A_214 = arith.constant 0 : i32
        %dma_wait3A_215 = tpu.memref_slice %arg5[%dma_wait3A_209, %dma_wait3A_214] : memref<114x88xi32, #tpu.memory_space<vmem>> -> memref<1x88xi32, #tpu.memory_space<vmem>>
        %dma_wait3A_216 = tpu.memref_squeeze %dma_wait3A_215 : memref<1x88xi32, #tpu.memory_space<vmem>> -> memref<88xi32, #tpu.memory_space<vmem>>
        %dma_wait3A_217 = arith.constant 0 : i32
        %dma_wait3A_218 = arith.constant 0 : i32
        %dma_wait3A_219 = tpu.memref_slice %arg7[%dma_wait3A_217, %dma_wait3A_218] : memref<10240x128xf32, #tpu.memory_space<vmem_shared>> -> memref<10240x128xf32, #tpu.memory_space<vmem_shared>>
        tpu.wait_indirect_dma semaphore(%arg13 : memref<!tpu.dma_semaphore, #tpu.memory_space<semaphore_mem>>) src(%dma_wait3A_213 : memref<88x128xf32, #tpu.memory_space<vmem>>) dst(%dma_wait3A_219 : memref<10240x128xf32, #tpu.memory_space<vmem_shared>>)
      } else {
      }
      %add3A_110 = arith.constant 2 : i32
      %add3A_111 = arith.addi %add3A_92, %add3A_110 : i32
      %lt3A = arith.constant 114 : i32
      %lt3A_112 = arith.cmpi slt, %add3A_111, %lt3A : i32
      %convert_element_type3A_113 = arith.extui %lt3A_112 : i1 to i32
      %cond3A_114 = arith.constant 0 : i32
      %cond3A_115 = arith.cmpi ne, %convert_element_type3A_113, %cond3A_114 : i32
      scf.if %cond3A_115 {
        %add3A_208 = arith.constant 2 : i32
        %add3A_209 = arith.addi %add3A_92, %add3A_208 : i32
        %mul3A_210 = arith.constant 10000 : i32
        %mul3A_211 = arith.muli %arg1, %mul3A_210 : i32
        %lt3A_212 = arith.constant 113 : i32
        %lt3A_213 = arith.cmpi slt, %add3A_209, %lt3A_212 : i32
        %mul3A_214 = arith.constant 88 : i32
        %mul3A_215 = arith.muli %add3A_209, %mul3A_214 : i32
        %jit3A_216 = arith.constant 9912 : i32
        %select_n3A_217 = arith.select %lt3A_213, %mul3A_215, %jit3A_216 : i32
        %add3A_218 = arith.addi %mul3A_211, %select_n3A_217 : i32
        %mul3A_219 = arith.constant 128 : i32
        %mul3A_220 = arith.muli %arg0, %mul3A_219 : i32
        %dma_start3A_221 = arith.constant 2 : i32
        %dma_start3A_222 = arith.constant 0 : i32
        %dma_start3A_223 = arith.constant 0 : i32
        %dma_start3A_224 = tpu.memref_slice %arg6[%dma_start3A_221, %dma_start3A_222, %dma_start3A_223] : memref<3x88x128xf32, #tpu.memory_space<vmem>> -> memref<1x88x128xf32, #tpu.memory_space<vmem>>
        %dma_start3A_225 = tpu.memref_squeeze %dma_start3A_224 : memref<1x88x128xf32, #tpu.memory_space<vmem>> -> memref<88x128xf32, #tpu.memory_space<vmem>>
        %dma_start3A_226 = tpu.memref_slice %arg2[%add3A_218, %mul3A_220] : memref<160000x256xf32, #tpu.memory_space<hbm>> -> memref<88x128xf32, #tpu.memory_space<hbm>>
        %dma_start3A_227 = arith.constant 0 : i32
        %dma_start3A_228 = arith.constant 0 : i32
        %dma_start3A_229 = tpu.memref_slice %arg6[%dma_start3A_221, %dma_start3A_227, %dma_start3A_228] : memref<3x88x128xf32, #tpu.memory_space<vmem>> -> memref<1x88x128xf32, #tpu.memory_space<vmem>>
        %dma_start3A_230 = tpu.memref_squeeze %dma_start3A_229 : memref<1x88x128xf32, #tpu.memory_space<vmem>> -> memref<88x128xf32, #tpu.memory_space<vmem>>
        %dma_start3A_231 = tpu.memref_slice %arg2[%add3A_218, %mul3A_220] : memref<160000x256xf32, #tpu.memory_space<hbm>> -> memref<88x128xf32, #tpu.memory_space<hbm>>
        tpu.enqueue_dma source(%dma_start3A_231 : memref<88x128xf32, #tpu.memory_space<hbm>>) target(%dma_start3A_230 : memref<88x128xf32, #tpu.memory_space<vmem>>) target_semaphore(%arg10 : memref<!tpu.dma_semaphore, #tpu.memory_space<semaphore_mem>>)
      } else {
      }
      %dma_start3A_116 = arith.constant 0 : i32
      %dma_start3A_117 = arith.constant 0 : i32
      %dma_start3A_118 = arith.constant 0 : i32
      %dma_start3A_119 = tpu.memref_slice %arg6[%dma_start3A_116, %dma_start3A_117, %dma_start3A_118] : memref<3x88x128xf32, #tpu.memory_space<vmem>> -> memref<1x88x128xf32, #tpu.memory_space<vmem>>
      %dma_start3A_120 = tpu.memref_squeeze %dma_start3A_119 : memref<1x88x128xf32, #tpu.memory_space<vmem>> -> memref<88x128xf32, #tpu.memory_space<vmem>>
      %dma_start3A_121 = arith.constant 0 : i32
      %dma_start3A_122 = tpu.memref_slice %arg5[%add3A_92, %dma_start3A_121] : memref<114x88xi32, #tpu.memory_space<vmem>> -> memref<1x88xi32, #tpu.memory_space<vmem>>
      %dma_start3A_123 = tpu.memref_squeeze %dma_start3A_122 : memref<1x88xi32, #tpu.memory_space<vmem>> -> memref<88xi32, #tpu.memory_space<vmem>>
      %dma_start3A_124 = arith.constant 0 : i32
      %dma_start3A_125 = arith.constant 0 : i32
      %dma_start3A_126 = tpu.memref_slice %arg7[%dma_start3A_124, %dma_start3A_125] : memref<10240x128xf32, #tpu.memory_space<vmem_shared>> -> memref<10240x128xf32, #tpu.memory_space<vmem_shared>>
      tpu.enqueue_indirect_dma source(%dma_start3A_120 : memref<88x128xf32, #tpu.memory_space<vmem>>) target(%dma_start3A_126 : memref<10240x128xf32, #tpu.memory_space<vmem_shared>>) offsets(%dma_start3A_123 : memref<88xi32, #tpu.memory_space<vmem>>) semaphore(%arg11 : memref<!tpu.dma_semaphore, #tpu.memory_space<semaphore_mem>>) {add = true}
      %add3A_127 = arith.constant 1 : i32
      %add3A_128 = arith.addi %mul3A_90, %add3A_127 : i32
      %dma_wait3A_129 = arith.constant 1 : i32
      %dma_wait3A_130 = arith.constant 0 : i32
      %dma_wait3A_131 = arith.constant 0 : i32
      %dma_wait3A_132 = tpu.memref_slice %arg6[%dma_wait3A_129, %dma_wait3A_130, %dma_wait3A_131] : memref<3x88x128xf32, #tpu.memory_space<vmem>> -> memref<1x88x128xf32, #tpu.memory_space<vmem>>
      %dma_wait3A_133 = tpu.memref_squeeze %dma_wait3A_132 : memref<1x88x128xf32, #tpu.memory_space<vmem>> -> memref<88x128xf32, #tpu.memory_space<vmem>>
      %dma_wait3A_134 = arith.constant 0 : i32
      %dma_wait3A_135 = arith.constant 0 : i32
      %dma_wait3A_136 = tpu.memref_slice %arg2[%dma_wait3A_134, %dma_wait3A_135] : memref<160000x256xf32, #tpu.memory_space<hbm>> -> memref<88x128xf32, #tpu.memory_space<hbm>>
      %dma_wait3A_137 = arith.constant 0 : i32
      %dma_wait3A_138 = arith.constant 0 : i32
      %dma_wait3A_139 = tpu.memref_slice %arg6[%dma_wait3A_129, %dma_wait3A_137, %dma_wait3A_138] : memref<3x88x128xf32, #tpu.memory_space<vmem>> -> memref<1x88x128xf32, #tpu.memory_space<vmem>>
      %dma_wait3A_140 = tpu.memref_squeeze %dma_wait3A_139 : memref<1x88x128xf32, #tpu.memory_space<vmem>> -> memref<88x128xf32, #tpu.memory_space<vmem>>
      %dma_wait3A_141 = arith.constant 0 : i32
      %dma_wait3A_142 = arith.constant 0 : i32
      %dma_wait3A_143 = tpu.memref_slice %arg2[%dma_wait3A_141, %dma_wait3A_142] : memref<160000x256xf32, #tpu.memory_space<hbm>> -> memref<88x128xf32, #tpu.memory_space<hbm>>
      tpu.wait_dma2 semaphore(%arg9 : memref<!tpu.dma_semaphore, #tpu.memory_space<semaphore_mem>>) src(%dma_wait3A_143 : memref<88x128xf32, #tpu.memory_space<hbm>>) dst(%dma_wait3A_140 : memref<88x128xf32, #tpu.memory_space<vmem>>)
      %ge3A_144 = arith.constant 1 : i32
      %ge3A_145 = arith.cmpi sge, %add3A_128, %ge3A_144 : i32
      %convert_element_type3A_146 = arith.extui %ge3A_145 : i1 to i32
      %cond3A_147 = arith.constant 0 : i32
      %cond3A_148 = arith.cmpi ne, %convert_element_type3A_146, %cond3A_147 : i32
      scf.if %cond3A_148 {
        %dma_wait3A_208 = arith.constant 0 : i32
        %dma_wait3A_209 = arith.constant 0 : i32
        %dma_wait3A_210 = arith.constant 0 : i32
        %dma_wait3A_211 = arith.constant 0 : i32
        %dma_wait3A_212 = tpu.memref_slice %arg6[%dma_wait3A_208, %dma_wait3A_210, %dma_wait3A_211] : memref<3x88x128xf32, #tpu.memory_space<vmem>> -> memref<1x88x128xf32, #tpu.memory_space<vmem>>
        %dma_wait3A_213 = tpu.memref_squeeze %dma_wait3A_212 : memref<1x88x128xf32, #tpu.memory_space<vmem>> -> memref<88x128xf32, #tpu.memory_space<vmem>>
        %dma_wait3A_214 = arith.constant 0 : i32
        %dma_wait3A_215 = tpu.memref_slice %arg5[%dma_wait3A_209, %dma_wait3A_214] : memref<114x88xi32, #tpu.memory_space<vmem>> -> memref<1x88xi32, #tpu.memory_space<vmem>>
        %dma_wait3A_216 = tpu.memref_squeeze %dma_wait3A_215 : memref<1x88xi32, #tpu.memory_space<vmem>> -> memref<88xi32, #tpu.memory_space<vmem>>
        %dma_wait3A_217 = arith.constant 0 : i32
        %dma_wait3A_218 = arith.constant 0 : i32
        %dma_wait3A_219 = tpu.memref_slice %arg7[%dma_wait3A_217, %dma_wait3A_218] : memref<10240x128xf32, #tpu.memory_space<vmem_shared>> -> memref<10240x128xf32, #tpu.memory_space<vmem_shared>>
        tpu.wait_indirect_dma semaphore(%arg11 : memref<!tpu.dma_semaphore, #tpu.memory_space<semaphore_mem>>) src(%dma_wait3A_213 : memref<88x128xf32, #tpu.memory_space<vmem>>) dst(%dma_wait3A_219 : memref<10240x128xf32, #tpu.memory_space<vmem_shared>>)
      } else {
      }
      %add3A_149 = arith.constant 2 : i32
      %add3A_150 = arith.addi %add3A_128, %add3A_149 : i32
      %lt3A_151 = arith.constant 114 : i32
      %lt3A_152 = arith.cmpi slt, %add3A_150, %lt3A_151 : i32
      %convert_element_type3A_153 = arith.extui %lt3A_152 : i1 to i32
      %cond3A_154 = arith.constant 0 : i32
      %cond3A_155 = arith.cmpi ne, %convert_element_type3A_153, %cond3A_154 : i32
      scf.if %cond3A_155 {
        %add3A_208 = arith.constant 2 : i32
        %add3A_209 = arith.addi %add3A_128, %add3A_208 : i32
        %mul3A_210 = arith.constant 10000 : i32
        %mul3A_211 = arith.muli %arg1, %mul3A_210 : i32
        %lt3A_212 = arith.constant 113 : i32
        %lt3A_213 = arith.cmpi slt, %add3A_209, %lt3A_212 : i32
        %mul3A_214 = arith.constant 88 : i32
        %mul3A_215 = arith.muli %add3A_209, %mul3A_214 : i32
        %jit3A_216 = arith.constant 9912 : i32
        %select_n3A_217 = arith.select %lt3A_213, %mul3A_215, %jit3A_216 : i32
        %add3A_218 = arith.addi %mul3A_211, %select_n3A_217 : i32
        %mul3A_219 = arith.constant 128 : i32
        %mul3A_220 = arith.muli %arg0, %mul3A_219 : i32
        %dma_start3A_221 = arith.constant 0 : i32
        %dma_start3A_222 = arith.constant 0 : i32
        %dma_start3A_223 = arith.constant 0 : i32
        %dma_start3A_224 = tpu.memref_slice %arg6[%dma_start3A_221, %dma_start3A_222, %dma_start3A_223] : memref<3x88x128xf32, #tpu.memory_space<vmem>> -> memref<1x88x128xf32, #tpu.memory_space<vmem>>
        %dma_start3A_225 = tpu.memref_squeeze %dma_start3A_224 : memref<1x88x128xf32, #tpu.memory_space<vmem>> -> memref<88x128xf32, #tpu.memory_space<vmem>>
        %dma_start3A_226 = tpu.memref_slice %arg2[%add3A_218, %mul3A_220] : memref<160000x256xf32, #tpu.memory_space<hbm>> -> memref<88x128xf32, #tpu.memory_space<hbm>>
        %dma_start3A_227 = arith.constant 0 : i32
        %dma_start3A_228 = arith.constant 0 : i32
        %dma_start3A_229 = tpu.memref_slice %arg6[%dma_start3A_221, %dma_start3A_227, %dma_start3A_228] : memref<3x88x128xf32, #tpu.memory_space<vmem>> -> memref<1x88x128xf32, #tpu.memory_space<vmem>>
        %dma_start3A_230 = tpu.memref_squeeze %dma_start3A_229 : memref<1x88x128xf32, #tpu.memory_space<vmem>> -> memref<88x128xf32, #tpu.memory_space<vmem>>
        %dma_start3A_231 = tpu.memref_slice %arg2[%add3A_218, %mul3A_220] : memref<160000x256xf32, #tpu.memory_space<hbm>> -> memref<88x128xf32, #tpu.memory_space<hbm>>
        tpu.enqueue_dma source(%dma_start3A_231 : memref<88x128xf32, #tpu.memory_space<hbm>>) target(%dma_start3A_230 : memref<88x128xf32, #tpu.memory_space<vmem>>) target_semaphore(%arg8 : memref<!tpu.dma_semaphore, #tpu.memory_space<semaphore_mem>>)
      } else {
      }
      %dma_start3A_156 = arith.constant 1 : i32
      %dma_start3A_157 = arith.constant 0 : i32
      %dma_start3A_158 = arith.constant 0 : i32
      %dma_start3A_159 = tpu.memref_slice %arg6[%dma_start3A_156, %dma_start3A_157, %dma_start3A_158] : memref<3x88x128xf32, #tpu.memory_space<vmem>> -> memref<1x88x128xf32, #tpu.memory_space<vmem>>
      %dma_start3A_160 = tpu.memref_squeeze %dma_start3A_159 : memref<1x88x128xf32, #tpu.memory_space<vmem>> -> memref<88x128xf32, #tpu.memory_space<vmem>>
      %dma_start3A_161 = arith.constant 0 : i32
      %dma_start3A_162 = tpu.memref_slice %arg5[%add3A_128, %dma_start3A_161] : memref<114x88xi32, #tpu.memory_space<vmem>> -> memref<1x88xi32, #tpu.memory_space<vmem>>
      %dma_start3A_163 = tpu.memref_squeeze %dma_start3A_162 : memref<1x88xi32, #tpu.memory_space<vmem>> -> memref<88xi32, #tpu.memory_space<vmem>>
      %dma_start3A_164 = arith.constant 0 : i32
      %dma_start3A_165 = arith.constant 0 : i32
      %dma_start3A_166 = tpu.memref_slice %arg7[%dma_start3A_164, %dma_start3A_165] : memref<10240x128xf32, #tpu.memory_space<vmem_shared>> -> memref<10240x128xf32, #tpu.memory_space<vmem_shared>>
      tpu.enqueue_indirect_dma source(%dma_start3A_160 : memref<88x128xf32, #tpu.memory_space<vmem>>) target(%dma_start3A_166 : memref<10240x128xf32, #tpu.memory_space<vmem_shared>>) offsets(%dma_start3A_163 : memref<88xi32, #tpu.memory_space<vmem>>) semaphore(%arg12 : memref<!tpu.dma_semaphore, #tpu.memory_space<semaphore_mem>>) {add = true}
      %add3A_167 = arith.constant 2 : i32
      %add3A_168 = arith.addi %mul3A_90, %add3A_167 : i32
      %dma_wait3A_169 = arith.constant 2 : i32
      %dma_wait3A_170 = arith.constant 0 : i32
      %dma_wait3A_171 = arith.constant 0 : i32
      %dma_wait3A_172 = tpu.memref_slice %arg6[%dma_wait3A_169, %dma_wait3A_170, %dma_wait3A_171] : memref<3x88x128xf32, #tpu.memory_space<vmem>> -> memref<1x88x128xf32, #tpu.memory_space<vmem>>
      %dma_wait3A_173 = tpu.memref_squeeze %dma_wait3A_172 : memref<1x88x128xf32, #tpu.memory_space<vmem>> -> memref<88x128xf32, #tpu.memory_space<vmem>>
      %dma_wait3A_174 = arith.constant 0 : i32
      %dma_wait3A_175 = arith.constant 0 : i32
      %dma_wait3A_176 = tpu.memref_slice %arg2[%dma_wait3A_174, %dma_wait3A_175] : memref<160000x256xf32, #tpu.memory_space<hbm>> -> memref<88x128xf32, #tpu.memory_space<hbm>>
      %dma_wait3A_177 = arith.constant 0 : i32
      %dma_wait3A_178 = arith.constant 0 : i32
      %dma_wait3A_179 = tpu.memref_slice %arg6[%dma_wait3A_169, %dma_wait3A_177, %dma_wait3A_178] : memref<3x88x128xf32, #tpu.memory_space<vmem>> -> memref<1x88x128xf32, #tpu.memory_space<vmem>>
      %dma_wait3A_180 = tpu.memref_squeeze %dma_wait3A_179 : memref<1x88x128xf32, #tpu.memory_space<vmem>> -> memref<88x128xf32, #tpu.memory_space<vmem>>
      %dma_wait3A_181 = arith.constant 0 : i32
      %dma_wait3A_182 = arith.constant 0 : i32
      %dma_wait3A_183 = tpu.memref_slice %arg2[%dma_wait3A_181, %dma_wait3A_182] : memref<160000x256xf32, #tpu.memory_space<hbm>> -> memref<88x128xf32, #tpu.memory_space<hbm>>
      tpu.wait_dma2 semaphore(%arg10 : memref<!tpu.dma_semaphore, #tpu.memory_space<semaphore_mem>>) src(%dma_wait3A_183 : memref<88x128xf32, #tpu.memory_space<hbm>>) dst(%dma_wait3A_180 : memref<88x128xf32, #tpu.memory_space<vmem>>)
      %ge3A_184 = arith.constant 1 : i32
      %ge3A_185 = arith.cmpi sge, %add3A_168, %ge3A_184 : i32
      %convert_element_type3A_186 = arith.extui %ge3A_185 : i1 to i32
      %cond3A_187 = arith.constant 0 : i32
      %cond3A_188 = arith.cmpi ne, %convert_element_type3A_186, %cond3A_187 : i32
      scf.if %cond3A_188 {
        %dma_wait3A_208 = arith.constant 1 : i32
        %dma_wait3A_209 = arith.constant 0 : i32
        %dma_wait3A_210 = arith.constant 0 : i32
        %dma_wait3A_211 = arith.constant 0 : i32
        %dma_wait3A_212 = tpu.memref_slice %arg6[%dma_wait3A_208, %dma_wait3A_210, %dma_wait3A_211] : memref<3x88x128xf32, #tpu.memory_space<vmem>> -> memref<1x88x128xf32, #tpu.memory_space<vmem>>
        %dma_wait3A_213 = tpu.memref_squeeze %dma_wait3A_212 : memref<1x88x128xf32, #tpu.memory_space<vmem>> -> memref<88x128xf32, #tpu.memory_space<vmem>>
        %dma_wait3A_214 = arith.constant 0 : i32
        %dma_wait3A_215 = tpu.memref_slice %arg5[%dma_wait3A_209, %dma_wait3A_214] : memref<114x88xi32, #tpu.memory_space<vmem>> -> memref<1x88xi32, #tpu.memory_space<vmem>>
        %dma_wait3A_216 = tpu.memref_squeeze %dma_wait3A_215 : memref<1x88xi32, #tpu.memory_space<vmem>> -> memref<88xi32, #tpu.memory_space<vmem>>
        %dma_wait3A_217 = arith.constant 0 : i32
        %dma_wait3A_218 = arith.constant 0 : i32
        %dma_wait3A_219 = tpu.memref_slice %arg7[%dma_wait3A_217, %dma_wait3A_218] : memref<10240x128xf32, #tpu.memory_space<vmem_shared>> -> memref<10240x128xf32, #tpu.memory_space<vmem_shared>>
        tpu.wait_indirect_dma semaphore(%arg12 : memref<!tpu.dma_semaphore, #tpu.memory_space<semaphore_mem>>) src(%dma_wait3A_213 : memref<88x128xf32, #tpu.memory_space<vmem>>) dst(%dma_wait3A_219 : memref<10240x128xf32, #tpu.memory_space<vmem_shared>>)
      } else {
      }
      %add3A_189 = arith.constant 2 : i32
      %add3A_190 = arith.addi %add3A_168, %add3A_189 : i32
      %lt3A_191 = arith.constant 114 : i32
      %lt3A_192 = arith.cmpi slt, %add3A_190, %lt3A_191 : i32
      %convert_element_type3A_193 = arith.extui %lt3A_192 : i1 to i32
      %cond3A_194 = arith.constant 0 : i32
      %cond3A_195 = arith.cmpi ne, %convert_element_type3A_193, %cond3A_194 : i32
      scf.if %cond3A_195 {
        %add3A_208 = arith.constant 2 : i32
        %add3A_209 = arith.addi %add3A_168, %add3A_208 : i32
        %mul3A_210 = arith.constant 10000 : i32
        %mul3A_211 = arith.muli %arg1, %mul3A_210 : i32
        %lt3A_212 = arith.constant 113 : i32
        %lt3A_213 = arith.cmpi slt, %add3A_209, %lt3A_212 : i32
        %mul3A_214 = arith.constant 88 : i32
        %mul3A_215 = arith.muli %add3A_209, %mul3A_214 : i32
        %jit3A_216 = arith.constant 9912 : i32
        %select_n3A_217 = arith.select %lt3A_213, %mul3A_215, %jit3A_216 : i32
        %add3A_218 = arith.addi %mul3A_211, %select_n3A_217 : i32
        %mul3A_219 = arith.constant 128 : i32
        %mul3A_220 = arith.muli %arg0, %mul3A_219 : i32
        %dma_start3A_221 = arith.constant 1 : i32
        %dma_start3A_222 = arith.constant 0 : i32
        %dma_start3A_223 = arith.constant 0 : i32
        %dma_start3A_224 = tpu.memref_slice %arg6[%dma_start3A_221, %dma_start3A_222, %dma_start3A_223] : memref<3x88x128xf32, #tpu.memory_space<vmem>> -> memref<1x88x128xf32, #tpu.memory_space<vmem>>
        %dma_start3A_225 = tpu.memref_squeeze %dma_start3A_224 : memref<1x88x128xf32, #tpu.memory_space<vmem>> -> memref<88x128xf32, #tpu.memory_space<vmem>>
        %dma_start3A_226 = tpu.memref_slice %arg2[%add3A_218, %mul3A_220] : memref<160000x256xf32, #tpu.memory_space<hbm>> -> memref<88x128xf32, #tpu.memory_space<hbm>>
        %dma_start3A_227 = arith.constant 0 : i32
        %dma_start3A_228 = arith.constant 0 : i32
        %dma_start3A_229 = tpu.memref_slice %arg6[%dma_start3A_221, %dma_start3A_227, %dma_start3A_228] : memref<3x88x128xf32, #tpu.memory_space<vmem>> -> memref<1x88x128xf32, #tpu.memory_space<vmem>>
        %dma_start3A_230 = tpu.memref_squeeze %dma_start3A_229 : memref<1x88x128xf32, #tpu.memory_space<vmem>> -> memref<88x128xf32, #tpu.memory_space<vmem>>
        %dma_start3A_231 = tpu.memref_slice %arg2[%add3A_218, %mul3A_220] : memref<160000x256xf32, #tpu.memory_space<hbm>> -> memref<88x128xf32, #tpu.memory_space<hbm>>
        tpu.enqueue_dma source(%dma_start3A_231 : memref<88x128xf32, #tpu.memory_space<hbm>>) target(%dma_start3A_230 : memref<88x128xf32, #tpu.memory_space<vmem>>) target_semaphore(%arg9 : memref<!tpu.dma_semaphore, #tpu.memory_space<semaphore_mem>>)
      } else {
      }
      %dma_start3A_196 = arith.constant 2 : i32
      %dma_start3A_197 = arith.constant 0 : i32
      %dma_start3A_198 = arith.constant 0 : i32
      %dma_start3A_199 = tpu.memref_slice %arg6[%dma_start3A_196, %dma_start3A_197, %dma_start3A_198] : memref<3x88x128xf32, #tpu.memory_space<vmem>> -> memref<1x88x128xf32, #tpu.memory_space<vmem>>
      %dma_start3A_200 = tpu.memref_squeeze %dma_start3A_199 : memref<1x88x128xf32, #tpu.memory_space<vmem>> -> memref<88x128xf32, #tpu.memory_space<vmem>>
      %dma_start3A_201 = arith.constant 0 : i32
      %dma_start3A_202 = tpu.memref_slice %arg5[%add3A_168, %dma_start3A_201] : memref<114x88xi32, #tpu.memory_space<vmem>> -> memref<1x88xi32, #tpu.memory_space<vmem>>
      %dma_start3A_203 = tpu.memref_squeeze %dma_start3A_202 : memref<1x88xi32, #tpu.memory_space<vmem>> -> memref<88xi32, #tpu.memory_space<vmem>>
      %dma_start3A_204 = arith.constant 0 : i32
      %dma_start3A_205 = arith.constant 0 : i32
      %dma_start3A_206 = tpu.memref_slice %arg7[%dma_start3A_204, %dma_start3A_205] : memref<10240x128xf32, #tpu.memory_space<vmem_shared>> -> memref<10240x128xf32, #tpu.memory_space<vmem_shared>>
      tpu.enqueue_indirect_dma source(%dma_start3A_200 : memref<88x128xf32, #tpu.memory_space<vmem>>) target(%dma_start3A_206 : memref<10240x128xf32, #tpu.memory_space<vmem_shared>>) offsets(%dma_start3A_203 : memref<88xi32, #tpu.memory_space<vmem>>) semaphore(%arg13 : memref<!tpu.dma_semaphore, #tpu.memory_space<semaphore_mem>>) {add = true}
      %scan3A_207 = arith.constant 0 : i32
      scf.yield %scan3A_207 : i32
    }
    %scan3A_69 = arith.constant 38 : i32
    %dma_wait3A_70 = arith.constant 2 : i32
    %dma_wait3A_71 = arith.constant 0 : i32
    %dma_wait3A_72 = arith.constant 0 : i32
    %dma_wait3A_73 = arith.constant 0 : i32
    %dma_wait3A_74 = tpu.memref_slice %arg6[%dma_wait3A_70, %dma_wait3A_72, %dma_wait3A_73] : memref<3x88x128xf32, #tpu.memory_space<vmem>> -> memref<1x88x128xf32, #tpu.memory_space<vmem>>
    %dma_wait3A_75 = tpu.memref_squeeze %dma_wait3A_74 : memref<1x88x128xf32, #tpu.memory_space<vmem>> -> memref<88x128xf32, #tpu.memory_space<vmem>>
    %dma_wait3A_76 = arith.constant 0 : i32
    %dma_wait3A_77 = tpu.memref_slice %arg5[%dma_wait3A_71, %dma_wait3A_76] : memref<114x88xi32, #tpu.memory_space<vmem>> -> memref<1x88xi32, #tpu.memory_space<vmem>>
    %dma_wait3A_78 = tpu.memref_squeeze %dma_wait3A_77 : memref<1x88xi32, #tpu.memory_space<vmem>> -> memref<88xi32, #tpu.memory_space<vmem>>
    %dma_wait3A_79 = arith.constant 0 : i32
    %dma_wait3A_80 = arith.constant 0 : i32
    %dma_wait3A_81 = tpu.memref_slice %arg7[%dma_wait3A_79, %dma_wait3A_80] : memref<10240x128xf32, #tpu.memory_space<vmem_shared>> -> memref<10240x128xf32, #tpu.memory_space<vmem_shared>>
    tpu.wait_indirect_dma semaphore(%arg13 : memref<!tpu.dma_semaphore, #tpu.memory_space<semaphore_mem>>) src(%dma_wait3A_75 : memref<88x128xf32, #tpu.memory_space<vmem>>) dst(%dma_wait3A_81 : memref<10240x128xf32, #tpu.memory_space<vmem_shared>>)
    %barrier3A_82 = arith.constant 0 : index
    tpu.barrier barrier_id(%barrier3A_82)
    %mul3A_83 = arith.constant 640 : i32
    %mul3A_84 = arith.muli %arg1, %mul3A_83 : i32
    %mul3A_85 = arith.constant 640 : i32
    %mul3A_86 = arith.muli %arg1, %mul3A_85 : i32
    "tpu.region"() ({
      %run_scoped3A = tpu.sem_alloc : memref<!tpu.dma_semaphore, #tpu.memory_space<semaphore_mem>>
      %dma_start3A_87 = arith.constant 0 : i32
      %dma_start3A_88 = tpu.memref_slice %arg4[%arg0, %mul3A_86, %dma_start3A_87] : memref<2x10240x128xf32, #tpu.memory_space<hbm>> -> memref<1x640x128xf32, #tpu.memory_space<hbm>>
      %dma_start3A_89 = tpu.memref_squeeze %dma_start3A_88 : memref<1x640x128xf32, #tpu.memory_space<hbm>> -> memref<640x128xf32, #tpu.memory_space<hbm>>
      %dma_start3A_90 = arith.constant 0 : i32
      %dma_start3A_91 = tpu.memref_slice %arg7[%mul3A_84, %dma_start3A_90] : memref<10240x128xf32, #tpu.memory_space<vmem_shared>> -> memref<640x128xf32, #tpu.memory_space<vmem_shared>>
      tpu.enqueue_dma source(%dma_start3A_91 : memref<640x128xf32, #tpu.memory_space<vmem_shared>>) target(%dma_start3A_89 : memref<640x128xf32, #tpu.memory_space<hbm>>) target_semaphore(%run_scoped3A : memref<!tpu.dma_semaphore, #tpu.memory_space<semaphore_mem>>)
      %dma_wait3A_92 = arith.constant 0 : i32
      %dma_wait3A_93 = tpu.memref_slice %arg4[%arg0, %mul3A_86, %dma_wait3A_92] : memref<2x10240x128xf32, #tpu.memory_space<hbm>> -> memref<1x640x128xf32, #tpu.memory_space<hbm>>
      %dma_wait3A_94 = tpu.memref_squeeze %dma_wait3A_93 : memref<1x640x128xf32, #tpu.memory_space<hbm>> -> memref<640x128xf32, #tpu.memory_space<hbm>>
      %dma_wait3A_95 = arith.constant 0 : i32
      %dma_wait3A_96 = tpu.memref_slice %arg7[%mul3A_84, %dma_wait3A_95] : memref<10240x128xf32, #tpu.memory_space<vmem_shared>> -> memref<640x128xf32, #tpu.memory_space<vmem_shared>>
      tpu.wait_dma2 semaphore(%run_scoped3A : memref<!tpu.dma_semaphore, #tpu.memory_space<semaphore_mem>>) src(%dma_wait3A_96 : memref<640x128xf32, #tpu.memory_space<vmem_shared>>) dst(%dma_wait3A_94 : memref<640x128xf32, #tpu.memory_space<hbm>>)
      tpu.yield
    }) : () -> ()
    return
  }
}

module attributes {stable_mosaic.version = 14 : i64} {
  func.func @_mm_body(%arg0: i32, %arg1: memref<2x2000x128xf32, #tpu.memory_space<vmem>>, %arg2: memref<256x256xf32, #tpu.memory_space<vmem>>, %arg3: memref<1x256xf32, #tpu.memory_space<vmem>>, %arg4: memref<2000x256xf32, #tpu.memory_space<vmem>>) attributes {dimension_semantics = [#tpu.dimension_semantics<arbitrary>], iteration_bounds = array<i64: 5>, scalar_prefetch = 0 : i64, scratch_operands = 0 : i64, tpu.core_type = #tpu.core_type<tc>, window_params = [{transform_indices = @transform_0, window_bounds = array<i64: 2, 2000, 128>}, {pipeline_mode = #tpu.pipeline_mode<synchronous>, transform_indices = @transform_1, window_bounds = array<i64: 256, 256>}, {pipeline_mode = #tpu.pipeline_mode<synchronous>, transform_indices = @transform_2, window_bounds = array<i64: 1, 256>}, {transform_indices = @transform_3, window_bounds = array<i64: 2000, 256>}]} {
    %get3A = arith.constant 0 : index
    %get3A_0 = arith.constant 0 : index
    %get3A_1 = arith.constant 0 : index
    %get3A_2 = vector.load %arg1[%get3A, %get3A_0, %get3A_1] : memref<2x2000x128xf32, #tpu.memory_space<vmem>>, vector<1x2000x128xf32>
    %get3A_3 = vector.shape_cast %get3A_2 : vector<1x2000x128xf32> to vector<2000x128xf32>
    %get3A_4 = arith.constant 1 : index
    %get3A_5 = arith.constant 0 : index
    %get3A_6 = arith.constant 0 : index
    %get3A_7 = vector.load %arg1[%get3A_4, %get3A_5, %get3A_6] : memref<2x2000x128xf32, #tpu.memory_space<vmem>>, vector<1x2000x128xf32>
    %get3A_8 = vector.shape_cast %get3A_7 : vector<1x2000x128xf32> to vector<2000x128xf32>
    %get3A_9 = arith.constant 0 : index
    %get3A_10 = arith.constant 0 : index
    %get3A_11 = vector.load %arg2[%get3A_9, %get3A_10] : memref<256x256xf32, #tpu.memory_space<vmem>>, vector<256x256xf32>
    %slice3A = vector.extract_strided_slice %get3A_11 {offsets = [0, 0], sizes = [256, 128], strides = [1, 1]} : vector<256x256xf32> to vector<256x128xf32>
    %dot_general3A = arith.constant dense<0.000000e+00> : vector<2000x256xf32>
    %dot_general3A_12 = tpu.matmul %get3A_3, %slice3A, %dot_general3A {dimension_numbers = #tpu.dot_dimension_numbers<[1], [1], [0], [0], [0, 0, 1, 0], [], []>, transpose_lhs_hint = false} : vector<2000x128xf32>, vector<256x128xf32>, vector<2000x256xf32> -> vector<2000x256xf32>
    %slice3A_13 = vector.extract_strided_slice %get3A_11 {offsets = [0, 128], sizes = [256, 128], strides = [1, 1]} : vector<256x256xf32> to vector<256x128xf32>
    %dot_general3A_14 = arith.constant dense<0.000000e+00> : vector<2000x256xf32>
    %dot_general3A_15 = tpu.matmul %get3A_8, %slice3A_13, %dot_general3A_14 {dimension_numbers = #tpu.dot_dimension_numbers<[1], [1], [0], [0], [0, 0, 1, 0], [], []>, transpose_lhs_hint = false} : vector<2000x128xf32>, vector<256x128xf32>, vector<2000x256xf32> -> vector<2000x256xf32>
    %add3A = arith.addf %dot_general3A_12, %dot_general3A_15 : vector<2000x256xf32>
    %get3A_16 = arith.constant 0 : index
    %get3A_17 = arith.constant 0 : index
    %get3A_18 = vector.load %arg3[%get3A_16, %get3A_17] : memref<1x256xf32, #tpu.memory_space<vmem>>, vector<1x256xf32>
    %add3A_19 = vector.broadcast %get3A_18 : vector<1x256xf32> to vector<2000x256xf32>
    %add3A_20 = arith.addf %add3A, %add3A_19 : vector<2000x256xf32>
    %swap3A = arith.constant 0 : index
    %swap3A_21 = arith.constant 0 : index
    %swap3A_22 = vector.load %arg4[%swap3A, %swap3A_21] : memref<2000x256xf32, #tpu.memory_space<vmem>>, vector<2000x256xf32>
    tpu.vector_store %arg4[%swap3A, %swap3A_21], %add3A_20 {strides = array<i32>} : memref<2000x256xf32, #tpu.memory_space<vmem>>, vector<2000x256xf32>,
    return
  }
  func.func @transform_0(%arg0: i32) -> (i32, i32, i32) {
    %c0_i32 = arith.constant 0 : i32
    %c0_i32_0 = arith.constant 0 : i32
    %c0_i32_1 = arith.constant 0 : i32
    return %c0_i32, %arg0, %c0_i32_0 : i32, i32, i32
  }
  func.func @transform_1(%arg0: i32) -> (i32, i32) {
    %c0_i32 = arith.constant 0 : i32
    %c0_i32_0 = arith.constant 0 : i32
    %c0_i32_1 = arith.constant 0 : i32
    return %c0_i32, %c0_i32_0 : i32, i32
  }
  func.func @transform_2(%arg0: i32) -> (i32, i32) {
    %c0_i32 = arith.constant 0 : i32
    %c0_i32_0 = arith.constant 0 : i32
    %c0_i32_1 = arith.constant 0 : i32
    return %c0_i32, %c0_i32_0 : i32, i32
  }
  func.func @transform_3(%arg0: i32) -> (i32, i32) {
    %c0_i32 = arith.constant 0 : i32
    %c0_i32_0 = arith.constant 0 : i32
    return %arg0, %c0_i32 : i32, i32
  }
}

</mosaic_0001>

<sc_bundles>
// kernel: kernel.4.cloned.1.call-start
scs
__scs_entry_jumppad:
0x0: {  	(pc) =	sbr.rel $0x88, $3  }
0x1: {  	(tag) =	ssettag $0x0;
	lr =	simm.s32 $0x1  }
0x2: {  	[smem:$0x3F9D] =	sst lr;
	_ =	strace $0xD0000000  }
0x3: {  	_ = 	snop  }
0x4: {  	_ = 	snop  }
0x5: {  	_ = 	snop  }
0x6: {  	_ = 	snop  }
0x7: {  	_ = 	snop  }
__scs_overlays_trampoline_lowered:
0x8: {  	[smem:$0x3FAC] =	sst s0  }
0x9: {  	[smem:$0x3FAD] =	sst s1  }
0xa: {  	[smem:$0x3FAE] =	sst s2  }
0xb: {  	[smem:$0x3FAF] =	sst s3  }
0xc: {  	[smem:$0x3FB0] =	sst s4  }
0xd: {  	[smem:$0x3FB1] =	sst s5  }
0xe: {  	[smem:$0x3FB2] =	sst s6  }
0xf: {  	[smem:$0x3FB3] =	sst s7  }
0x10: {  	[smem:$0x3FB4] =	sst s8  }
0x11: {  	[smem:$0x3FB5] =	sst s9;
	s0 =	simm.s32 @!p0 $0x0  }
0x12: {  	s1 =	sld [smem:$0x3F9B];
	s0 =	simm.s32 @p0 $0x1  }
0x13: {  	[smem:$0x3FB6] =	sst s0;
	s0 =	simm.s32 @!p1 $0x0  }
0x14: {  	s2 =	sld [smem:$0x3F9A];
	s0 =	simm.s32 @p1 $0x1  }
0x15: {  	[smem:$0x3FB7] =	sst s0;
	s0 =	simm.s32 @!p2 $0x0  }
0x16: {  	s3 =	sld [smem:$0x3FDB];
	s0 =	simm.s32 @p2 $0x1  }
0x17: {  	s4 =	simm.s32 $0x1BF5;
	[smem:$0x3FB9] =	sst s0  }
0x18: {  	s0 =	sld [smem:$0x3F9C];
	_ =	swait.ge [sflag:s4], $0x0  }
0x19: {  	s7 =	sld [smem:$0x3F9D]  }
0x1a: {  	s8 =	sadd.s32 $0xFFFFE003, lr  }
0x1b: {  	s9 =	sadd.s32 $0xFFFFFEF7, lr;
	s5 =	simm.s32 $0xFFFFFFFF;
	p2 =	slt.u32 s8, $0xFFFFF086  }
0x1c: {  	p1 =	slt.u32 s9, $0xF7A;
	s5 =	simm.s32 @!p2 $0x0  }
0x1d: {  	s5 =	simm.s32 @p1 $0x1;
	p0 =	seq.s32 s7, s2  }
0x1e: {  	s7 =	smul.u32 @!p0 $0xF7A, s2;
	p2 =	seq.s32 @!p0 s5, $0x0  }
0x1f: {  	s9 =	smul.u32 $0xF7A, s1;
	s8 =	simm.s32 @!p0 $0x1BF5;
	p2 =	por !p2, p0  }
0x20: {  	[sflag:s8] =	ssyncset.s32 @!p0 $0xFFFFF086;
	s6 =	sadd.s32 @!p0 s3, s7;
	s7 =	simm.s32 @!p0 $0x108  }
0x21: {  	s3 =	sadd.s32 s3, s9;
	s6 =	sadd.s32 @!p0 $0x88, s6;
	s7 =	simm.s32 @p2 $0x1082  }
0x22: {  	[simem:s7], [sflag:s8] =	dma.local @!p0 [hbm:s6], $0xF7A  }
0x23: {  	s9 =	sor.u32 $0xD0000000, s2;
	s6 =	simm.s32 $0x108;
	_ =	swait.ge @!p0 [sflag:s8], $0x0  }
0x24: {  	s3 =	sadd.s32 $0x88, s3;
	s6 =	simm.s32 @!p1 $0x1082;
	[sflag:s4] =	ssyncset.s32 $0xFFFFF086  }
0x25: {  	[simem:s6], [sflag:s4] =	dma.local [hbm:s3], $0xF7A  }
0x26: {  	[smem:$0x3F9D] =	sst s1;
	(tag) =	ssettag s2;
	_ =	strace s9  }
0x27: {  	s1 =	sld [smem:$0x3FAD]  }
0x28: {  	s2 =	sld [smem:$0x3FAE]  }
0x29: {  	s4 =	sld [smem:$0x3FB0]  }
0x2a: {  	p0 =	seq.s32 s5, $0x0;
	s5 =	sld [smem:$0x3FB1]  }
0x2b: {  	s6 =	sld [smem:$0x3FB2]  }
0x2c: {  	s7 =	sld [smem:$0x3FB3]  }
0x2d: {  	s3 =	simm.s32 $0x108;
	s8 =	sld [smem:$0x3FB4]  }
0x2e: {  	s3 =	simm.s32 @!p0 $0x1082;
	s9 =	sld [smem:$0x3FB5]  }
0x2f: {  	lr =	sadd.s32 s0, s3;
	s0 =	sld [smem:$0x3FAC]  }
0x30: {  	s3 =	sld [smem:$0x3FAF]  }
0x31: {  	[smem:$0x3FB8] =	sst s10  }
0x32: {  	s10 =	sld [smem:$0x3FB6];
	_ =	sdelay $0x3  }
0x33: {  	p0 =	seq.s32 s10, $0x1;
	s10 =	sld [smem:$0x3FB8];
	_ =	sdelay $0x3  }
0x34: {  	[smem:$0x3FB8] =	sst s10  }
0x35: {  	s10 =	sld [smem:$0x3FB7];
	_ =	sdelay $0x3  }
0x36: {  	p1 =	seq.s32 s10, $0x1;
	s10 =	sld [smem:$0x3FB8];
	_ =	sdelay $0x3  }
0x37: {  	[smem:$0x3FB8] =	sst s10  }
0x38: {  	s10 =	sld [smem:$0x3FB9]  }
0x39: {  	_ = 	snop;
	(pc) =	sbr.ind lr, $3  }
0x3a: {  	_ = 	snop  }
0x3b: {  	_ = 	snop  }
0x3c: {  	p2 =	seq.s32 s10, $0x1;
	s10 =	sld [smem:$0x3FB8]  }
0x3d: {  	_ =	shalt  }
0x3e: {  	_ =	shalt  }
0x3f: {  	_ =	shalt  }
0x40: {  	_ =	shalt  }
0x41: {  	_ =	shalt  }
0x42: {  	_ =	shalt  }
0x43: {  	_ =	shalt  }
0x44: {  	_ =	shalt  }
0x45: {  	_ =	shalt  }
0x46: {  	_ =	shalt  }
0x47: {  	_ =	shalt  }
0x48: {  	_ =	shalt  }
0x49: {  	_ =	shalt  }
0x4a: {  	_ =	shalt  }
0x4b: {  	_ =	shalt  }
0x4c: {  	_ =	shalt  }
0x4d: {  	_ =	shalt  }
0x4e: {  	_ =	shalt  }
0x4f: {  	_ =	shalt  }
0x50: {  	_ =	shalt  }
0x51: {  	_ =	shalt  }
0x52: {  	_ =	shalt  }
0x53: {  	_ =	shalt  }
0x54: {  	_ =	shalt  }
0x55: {  	_ =	shalt  }
0x56: {  	_ =	shalt  }
0x57: {  	_ =	shalt  }
0x58: {  	_ =	shalt  }
0x59: {  	_ =	shalt  }
0x5a: {  	_ =	shalt  }
0x5b: {  	_ =	shalt  }
0x5c: {  	_ =	shalt  }
0x5d: {  	_ =	shalt  }
0x5e: {  	_ =	shalt  }
0x5f: {  	_ =	shalt  }
0x60: {  	_ =	shalt  }
0x61: {  	_ =	shalt  }
0x62: {  	_ =	shalt  }
0x63: {  	_ =	shalt  }
0x64: {  	_ =	shalt  }
0x65: {  	_ =	shalt  }
0x66: {  	_ =	shalt  }
0x67: {  	_ =	shalt  }
0x68: {  	_ =	shalt  }
0x69: {  	_ =	shalt  }
0x6a: {  	_ =	shalt  }
0x6b: {  	_ =	shalt  }
0x6c: {  	_ =	shalt  }
0x6d: {  	_ =	shalt  }
0x6e: {  	_ =	shalt  }
0x6f: {  	_ =	shalt  }
0x70: {  	_ =	shalt  }
0x71: {  	_ =	shalt  }
0x72: {  	_ =	shalt  }
0x73: {  	_ =	shalt  }
0x74: {  	_ =	shalt  }
0x75: {  	_ =	shalt  }
0x76: {  	_ =	shalt  }
0x77: {  	_ =	shalt  }
0x78: {  	_ =	shalt  }
0x79: {  	_ =	shalt  }
0x7a: {  	_ =	shalt  }
0x7b: {  	_ =	shalt  }
0x7c: {  	_ =	shalt  }
0x7d: {  	_ =	shalt  }
0x7e: {  	_ =	shalt  }
0x7f: {  	_ =	shalt  }
0x80: {  	_ =	shalt  }
0x81: {  	_ =	shalt  }
0x82: {  	_ =	shalt  }
0x83: {  	_ =	shalt  }
0x84: {  	_ =	shalt  }
0x85: {  	_ =	shalt  }
0x86: {  	_ =	shalt  }
0x87: {  	_ =	shalt  }
.Lfunc_end0:
.L_simem_size_0:
called_computation_lowered:
.L_overlay_start_0:
0x88: {  	s2 =	sld [smem:$0x3FD9]  }
0x89: {  	s3 =	sld [smem:$0x3FFE];
	_ =	sdelay $0x1  }
0x8a: {  	s1 =	srdreg.scid  }
0x8b: {  	s0 =	sand.u32 $0x1, s1  }
0x8c: {  	s17 =	sshll.u32 s0, $0xA;
	s2 =	sadd.s32 s3, s2  }
0x8d: {  	s2 =	sadd.s32 s2, s17  }
0x8e: {  	[smem:$0x3FC4] =	sst s2  }
0x8f: {  	_ = 	snop  }
0x90: {  	s2 =	sld [smem:$0x3FC9]  }
0x91: {  	s18 =	sld [smem:$0x3FD0];
	(tm) =	ssettm $0x1  }
0x92: {  	s4 =	sld [smem:$0x3FFB];
	_ =	sdelay $0x3  }
0x93: {  	_ =	strace s4  }
0x94: {  	s4 =	sld [smem:$0x3FFC];
	_ =	sdelay $0x3  }
0x95: {  	_ =	strace s4  }
0x96: {  	s4 =	sld [smem:$0x3FFD];
	_ =	sdelay $0x3  }
0x97: {  	_ =	strace s4  }
0x98: {  	_ =	strace $0x8FFFFFFF  }
0x99: {  	s19 =	sld [smem:$0x3FDB];
	_ =	sdelay $0x1  }
0x9a: {  	s5 =	simm.s32 $_scs_section_size  }
0x9b: {  	s6 =	simm.s32 $_size__tile_overlayer_lowered;
	s7 =	simm.s32 $_tile_overlayer_lowered  }
0x9c: {  	s22 =	simm.s32 $0x1BFF;
	s21 =	sshll.u32 s7, $0x1;
	s4 =	sadd.s32 s5, s19  }
0x9d: {  	s8 =	simm.s32 $0x0;
	s20 =	sshll.u32 s6, $0x1;
	s6 =	sadd.s32 s21, s4  }
0x9e: {  	[timem:s8], [sflag:s22] =	dma.local [hbm:s6], s20  }
0x9f: {  	_ =	swait.ge [sflag:s22], s20  }
0xa0: {  	s5 =	ssub.s32 $0x0, s20;
	[sflag:s22] =	ssyncset.done $0x0  }
0xa1: {  	[sflag:s22] =	ssyncadd.s32 s5;
	_ =	sdelay $0x1  }
0xa2: {  	s23 =	simm.s32 $0x1B8B  }
0xa3: {  	_ =	swait.ge [sflag:s23], $0x1  }
0xa4: {  	[sflag:s23] =	ssyncset.done $0x0  }
0xa5: {  	s25 =	simm.s32 $0x1B8E;
	s24 =	sld [smem:$0x3FFE];
	[sflag:s23] =	ssyncadd.s32 $0xFFFFFFFF  }
0xa6: {  	s26 =	simm.s32 $execute0_lowered;
	[smem:$0x3FD2] =	sst s25  }
0xa7: {  	s6 =	sshll.u32 s26, $0x1;
	_ =	strace $0x80000046;
	[dreg:$0x1] =	wrdreg $0xFFFFFFFF  }
0xa8: {  	s28 =	simm.s32 $_size_execute0_lowered;
	s4 =	sadd.s32 s4, s6;
	[dreg:$0x0] =	wrdreg $0x0  }
0xa9: {  	s6 =	sshll.u32 s28, $0x1;
	[dreg:$0x2] =	wrdreg s4  }
0xaa: {  	[dreg:$0x3] =	wrdreg s6  }
0xab: {  	[dreg:$0x4] =	wrdreg $0xC0  }
0xac: {  	_ =	task [dreg:s8], $0x5FFFF  }
0xad: {  	[dreg:$0x1] =	wrdreg $0xFFFFFFFF  }
0xae: {  	[dreg:$0x0] =	wrdreg $0x60  }
0xaf: {  	[dreg:$0x2] =	wrdreg s2  }
0xb0: {  	[dreg:$0x3] =	wrdreg s18  }
0xb1: {  	[dreg:$0x4] =	wrdreg s24  }
0xb2: {  	[dreg:$0x5] =	wrdreg $0xC0000  }
0xb3: {  	[dreg:$0x6] =	wrdreg $0x9  }
0xb4: {  	_ =	task.clear_ibuf [dreg:s8], $0x7FFFF;
	_ =	strace $0x90000046  }
0xb5: {  	s29 =	simm.s32 $0x9;
	_ =	strace $0x80000048  }
0xb6: {  	_ =	swait.ge [sflag:s29], $0x1  }
0xb7: {  	[sflag:s29] =	ssyncadd.s32 $0xFFFFFFFF  }
0xb8: {  	_ =	strace $0x90000048  }
0xb9: {  	_ =	sfence  }
0xba: {  	s30 =	sld [smem:$0x0];
	_ =	sdelay $0x2  }
0xbb: {  	s31 =	sshll.u32 s1, $0xD;
	s1 =	sshrl.u32 s1, $0x2  }
0xbc: {  	s3 =	sand.u32 $0x4000, s31;
	s1 =	sadd.s32 s1, s30  }
0xbd: {  	s0 =	sor.u32 s3, s0;
	s1 =	sshll.u32 s1, $0x11  }
0xbe: {  	s0 =	sor.u32 s1, s0  }
0xbf: {  	s0 =	sadd.s32 $0x8F2B, s0  }
0xc0: {  	[sflag:s0] =	ssyncadd.remote.s32 $0x1  }
0xc1: {  	_ =	sfence.sel $0xFFFF  }
0xc2: {  	[dreg:$0x0] =	wrdreg $0xFFFFFFFF;
	(pc) =	sbr.abs _section_cstart, $3  }
0xc3: {  	[dreg:$0x1] =	wrdreg $0xFFFFFFFF  }
0xc4: {  	_ =	task.clear_ibuf [dreg:s8], $0x2FFFF;
	_ =	strace $0x9FFFFFFF  }
0xc5: {  	(tm) =	ssettm $0x7FFFFFFF  }
tec
execute0_lowered:
.L_overlay_start_1:
0x0: {  	(tag) =	ssettag $0x1  }
0x1: {  	s0 =	rddreg [dreg:$0x0]  }
0x2: {  	s1 =	rddreg [dreg:$0x1];
	s2 =	srdreg.scid  }
0x3: {  	s4 =	rddreg [dreg:$0x2];
	s11 =	stileid.u32  }
0x4: {  	s3 =	rddreg [dreg:$0x3];
	s14 =	simm.s32 $0x0;
	s28 =	simm.s32 $0x9400  }
0x5: {  	s29 =	simm.s32 $0x8;
	s30 =	simm.s32 $0x7;
	s6 =	smul.u32 $0x14000, s11  }
0x6: {  	s31 =	simm.s32 $0x1;
	s2 =	sand.u32 $0x1, s2;
	s8 =	smul.u32 $0x271000, s11  }
0x7: {  	[smem:$0x7FF] =	sst s14;
	s5 =	smul.u32 $0x140000, s2;
	s7 =	ssub.s32 $0x2, s2  }
0x8: {  	s16 =	smul.u32 $0x50000, s11;
	_ =	strace $0x80000047;
	s9 =	sshrl.u32 s7, $0x1  }
0x9: {  	s5 =	sadd.s32 s6, s5;
	s6 =	sshll.u32 s2, $0xA;
	s13 =	ssub.s32 s7, s9  }
0xa: {  	s7 =	simm.s32 $0x3;
	s5 =	sshrl.u32 s5, $0x3;
	s15 =	sor.u32 s6, s8  }
0xb: {  	s8 =	sshrl.u32 s16, $0x2;
	s20 =	smax.u32 s13, $0x1;
	s4 =	sadd.s32 s5, s4  }
0xc: {  	s5 =	smul.u32 $0x2710, s11;
	s17 =	sshrl.u32 s15, $0x3;
	s10 =	sadd.s32 $0x5800, s15  }
0xd: {  	s11 =	smul.u32 $0x780, s11;
	[dreg:$0x9] =	wrdreg s20;
	s24 =	sadd.s32 $0xB000, s15  }
0xe: {  	s25 =	sadd.s32 $0x10800, s15;
	s26 =	sadd.s32 $0x16000, s15;
	s9 =	sadd.s32 s0, s17  }
0xf: {  	s18 =	sshrl.u32 s10, $0x3;
	s10 =	sadd.s32 s8, s3;
	s19 =	sadd.s32 $0x600, s4  }
0x10: {  	s2 =	sshrl.u32 s25, $0x3;
	s4 =	sshrl.u32 s26, $0x3;
	s25 =	simm.s32 $0x3C00  }
0x11: {  	s26 =	simm.s32 $0x6800;
	s8 =	simm.s32 $0x5;
	[dreg:$0x5] =	wrdreg s9  }
0x12: {  	s9 =	sadd.s32 s0, s18;
	s1 =	sadd.s32 s1, s11;
	[dreg:$0x8] =	wrdreg s19  }
0x13: {  	s21 =	sadd.s32 $0x2800, s10;
	s22 =	sadd.s32 $0x5000, s10;
	[dreg:$0x6] =	wrdreg s9  }
0x14: {  	s23 =	sadd.s32 $0x7800, s10;
	s16 =	sadd.s32 $0xA000, s10;
	[dreg:$0x7] =	wrdreg s1  }
0x15: {  	s17 =	sadd.s32 $0xC800, s10;
	s18 =	sadd.s32 $0xF000, s10;
	[dreg:$0xa] =	wrdreg s21  }
.Ltmp0:
0x16: {  	s19 =	sadd.s32 $0x11800, s10;
	[dreg:$0xb] =	wrdreg s22;
	(pc) =	sbr.rel .LBB2_1-.Ltmp0, $4  }
0x17: {  	s11 =	simm.s32 $0x0;
	[dreg:$0xc] =	wrdreg s23;
	s1 =	sshrl.u32 s24, $0x3  }
0x18: {  	s21 =	sadd.s32 s0, s2;
	s22 =	sadd.s32 s0, s4;
	s23 =	simm.s32 $0x400  }
0x19: {  	s24 =	simm.s32 $0x800;
	s2 =	simm.s32 $0x58;
	s4 =	simm.s32 $0x4  }
0x1a: {  	v0 =	vimm.f32 $0.0e+00;
	s9 =	simm.s32 $0x6;
	s20 =	sadd.s32 s0, s1;
	s1 =	simm.s32 $0x2  }
.LBB2_6:
0x1b: {  	[spmem:s3] =	stream.indirect.scatter.add.f32 [tilespmem:s26], [sflag:$0x5], $0x80, s14, s2, $0xb8;
	v63 =	vld [tilespmem:$0x0]  }
0x1c: {  	_ =	swait.ge [sflag:s7], $0x2C00  }
0x1d: {  	[sflag:s7] =	ssyncset.done $0x0  }
0x1e: {  	[sflag:s7] =	ssyncadd.s32 $0xFFFFD400  }
0x1f: {  	_ =	swait.ge [sflag:s8], $0x2C00  }
0x20: {  	[sflag:s8] =	ssyncset.done $0x0  }
0x21: {  	s12 =	simm.s32 $0x3880;
	[sflag:s8] =	ssyncadd.s32 $0xFFFFD400  }
0x22: {  	[spmem:s3] =	stream.indirect.scatter.add.f32 [tilespmem:s28], [sflag:$0x6], $0x80, s12, s2, $0xb8;
	v63 =	vld [tilespmem:$0x0]  }
0x23: {  	_ =	swait.ge [sflag:s9], $0x2C00  }
0x24: {  	[sflag:s9] =	ssyncset.done $0x0  }
0x25: {  	s14 =	stileid.u32;
	[sflag:s9] =	ssyncadd.s32 $0xFFFFD400  }
0x26: {  	s12 =	sshll.u32 s14, $0x6;
	[bflag:$0x0] =	sbarrier.arrive $0xFFFF  }
0x27: {  	s13 =	sshrl.u32 s10, $0x3;
	s12 =	sor.u32 $0x1C08, s12;
	s15 =	rddreg [dreg:$0x8]  }
0x28: {  	[hbm:s15], [sflag:s12] =	dma.local [spmem:s13], $0x2800  }
0x29: {  	_ =	swait.ge [sflag:s29], $0x2800  }
0x2a: {  	s11 =	sadd.s32 $0x1, s11;
	s15 =	rddreg [dreg:$0x9]  }
0x2b: {  	p0 =	sne.s32 s11, s15  }
.Ltmp1:
0x2c: {  	_ = 	snop;
	(pc) =	sbr.rel @!p0 .LBB2_7-.Ltmp1, $3  }
0x2d: {  	_ =	sdelay $0x1  }
0x2e: {  	[sflag:s29] =	ssyncset.done $0x0  }
0x2f: {  	s14 =	simm.s32 $0x0;
	[sflag:s29] =	ssyncadd.s32 $0xFFFFD800  }
.LBB2_1:
0x30: {  	s12 =	rddreg [dreg:$0x5]  }
0x31: {  	[tilespmem:s25], [sflag:$0x1] =	stream.strided.gather [hbm4b:s12+s23], $0x2C00, s24, s23, $0x38;
	v63 =	vld [tilespmem:$0x0]  }
0x32: {  	s13 =	rddreg [dreg:$0x6]  }
0x33: {  	[tilespmem:s26], [sflag:$0x2] =	stream.strided.gather [hbm4b:s13+s23], $0x2C00, s24, s23, $0x38;
	v63 =	vld [tilespmem:$0x0]  }
0x34: {  	s15 =	rddreg [dreg:$0x7];
	s12 =	simm.s32 $0x0;
	s13 =	simm.s32 $0x200  }
0x35: {  	[tilespmem:s14], [sflag:$0x7] =	stream.linear.gather [hbm4b:s15+s14], $0x3900, $0x38;
	v63 =	vld [tilespmem:$0x0]  }
.LBB2_2:
0x36: {  	p0 =	sne.s32 s13, $0x9E00;
	[tilespmem:s12+$0x9470] =	vst v0  }
0x37: {  	[tilespmem:s12+$0x9400] =	vst v0  }
0x38: {  	[tilespmem:s12+$0x9410] =	vst v0  }
.Ltmp2:
0x39: {  	[tilespmem:s12+$0x9420] =	vst v0;
	(pc) =	sbr.rel @p0 .LBB2_2-.Ltmp2, $4  }
0x3a: {  	[tilespmem:s12+$0x9430] =	vst v0  }
0x3b: {  	[tilespmem:s12+$0x9440] =	vst v0  }
0x3c: {  	[tilespmem:s12+$0x9450] =	vst v0  }
0x3d: {  	[tilespmem:s12+$0x9460] =	vst v0;
	s12 =	sshra.s32 s13, $0x2;
	s13 =	sadd.s32 $0x200, s13  }
0x3e: {  	[tilespmem:s12+$0x9470] =	vst v0  }
0x3f: {  	[tilespmem:s12+$0x9400] =	vst v0  }
0x40: {  	[tilespmem:s12+$0x9410] =	vst v0  }
0x41: {  	[tilespmem:s12+$0x9420] =	vst v0  }
0x42: {  	[tilespmem:s12+$0x9430] =	vst v0  }
0x43: {  	[tilespmem:s12+$0x9440] =	vst v0  }
0x44: {  	[tilespmem:s12+$0x9450] =	vst v0  }
0x45: {  	[tilespmem:s12+$0x9460] =	vst v0  }
0x46: {  	[spmem:s10] =	stream.linear.scatter [tilespmem:s28], [sflag:$0x8], $0x2800, $0x38;
	v63 =	vld [tilespmem:$0x0]  }
0x47: {  	_ =	swait.ge [sflag:s29], $0x2800  }
0x48: {  	[sflag:s29] =	ssyncset.done $0x0  }
0x49: {  	s13 =	rddreg [dreg:$0xa];
	[sflag:s29] =	ssyncadd.s32 $0xFFFFD800  }
0x4a: {  	[spmem:s13] =	stream.linear.scatter [tilespmem:s28], [sflag:$0x8], $0x2800, $0x38;
	v63 =	vld [tilespmem:$0x0]  }
0x4b: {  	_ =	swait.ge [sflag:s29], $0x2800  }
0x4c: {  	[sflag:s29] =	ssyncset.done $0x0  }
0x4d: {  	s15 =	rddreg [dreg:$0xb];
	[sflag:s29] =	ssyncadd.s32 $0xFFFFD800  }
0x4e: {  	[spmem:s15] =	stream.linear.scatter [tilespmem:s28], [sflag:$0x8], $0x2800, $0x38;
	v63 =	vld [tilespmem:$0x0]  }
0x4f: {  	_ =	swait.ge [sflag:s29], $0x2800  }
0x50: {  	[sflag:s29] =	ssyncset.done $0x0  }
0x51: {  	s13 =	rddreg [dreg:$0xc];
	[sflag:s29] =	ssyncadd.s32 $0xFFFFD800  }
0x52: {  	[spmem:s13] =	stream.linear.scatter [tilespmem:s28], [sflag:$0x8], $0x2800, $0x38;
	v63 =	vld [tilespmem:$0x0]  }
0x53: {  	_ =	swait.ge [sflag:s29], $0x2800  }
0x54: {  	[sflag:s29] =	ssyncset.done $0x0  }
0x55: {  	[sflag:s29] =	ssyncadd.s32 $0xFFFFD800  }
0x56: {  	[spmem:s16] =	stream.linear.scatter [tilespmem:s28], [sflag:$0x8], $0x2800, $0x38;
	v63 =	vld [tilespmem:$0x0]  }
0x57: {  	_ =	swait.ge [sflag:s29], $0x2800  }
0x58: {  	[sflag:s29] =	ssyncset.done $0x0  }
0x59: {  	[sflag:s29] =	ssyncadd.s32 $0xFFFFD800  }
0x5a: {  	[spmem:s17] =	stream.linear.scatter [tilespmem:s28], [sflag:$0x8], $0x2800, $0x38;
	v63 =	vld [tilespmem:$0x0]  }
0x5b: {  	_ =	swait.ge [sflag:s29], $0x2800  }
0x5c: {  	[sflag:s29] =	ssyncset.done $0x0  }
0x5d: {  	[sflag:s29] =	ssyncadd.s32 $0xFFFFD800  }
0x5e: {  	[spmem:s18] =	stream.linear.scatter [tilespmem:s28], [sflag:$0x8], $0x2800, $0x38;
	v63 =	vld [tilespmem:$0x0]  }
0x5f: {  	_ =	swait.ge [sflag:s29], $0x2800  }
0x60: {  	[sflag:s29] =	ssyncset.done $0x0  }
0x61: {  	[sflag:s29] =	ssyncadd.s32 $0xFFFFD800  }
0x62: {  	[spmem:s19] =	stream.linear.scatter [tilespmem:s28], [sflag:$0x8], $0x2800, $0x38;
	v63 =	vld [tilespmem:$0x0]  }
0x63: {  	_ =	swait.ge [sflag:s29], $0x2800  }
0x64: {  	[sflag:s29] =	ssyncset.done $0x0  }
0x65: {  	[sflag:s29] =	ssyncadd.s32 $0xFFFFD800  }
0x66: {  	_ =	swait.ge [sflag:s30], $0x3900  }
0x67: {  	[sflag:s30] =	ssyncset.done $0x0  }
0x68: {  	[sflag:s30] =	ssyncadd.s32 $0xFFFFC700  }
0x69: {  	[bflag:$0x0] =	sbarrier.arrive $0xFFFF  }
0x6a: {  	_ =	swait.ge [sflag:s31], $0x2C00  }
0x6b: {  	[sflag:s31] =	ssyncset.done $0x0  }
0x6c: {  	[sflag:s31] =	ssyncadd.s32 $0xFFFFD400  }
0x6d: {  	[tilespmem:s28], [sflag:$0x3] =	stream.strided.gather [hbm4b:s20+s23], $0x2C00, s24, s23, $0x38;
	v63 =	vld [tilespmem:$0x0]  }
0x6e: {  	_ = 	snop  }
0x6f: {  	[spmem:s3] =	stream.indirect.scatter.add.f32 [tilespmem:s25], [sflag:$0x4], $0x80, s14, s2, $0xb8;
	v63 =	vld [tilespmem:$0x0]  }
0x70: {  	_ =	swait.ge [sflag:s1], $0x2C00  }
0x71: {  	[sflag:s1] =	ssyncset.done $0x0  }
0x72: {  	[sflag:s1] =	ssyncadd.s32 $0xFFFFD400  }
0x73: {  	_ =	swait.ge [sflag:s4], $0x2C00  }
0x74: {  	[sflag:s4] =	ssyncset.done $0x0  }
0x75: {  	[sflag:s4] =	ssyncadd.s32 $0xFFFFD400  }
0x76: {  	[tilespmem:s25], [sflag:$0x1] =	stream.strided.gather [hbm4b:s21+s23], $0x2C00, s24, s23, $0x38;
	v63 =	vld [tilespmem:$0x0]  }
0x77: {  	s14 =	simm.s32 $0x80  }
0x78: {  	[spmem:s3] =	stream.indirect.scatter.add.f32 [tilespmem:s26], [sflag:$0x5], $0x80, s14, s2, $0xb8;
	v63 =	vld [tilespmem:$0x0]  }
0x79: {  	_ =	swait.ge [sflag:s7], $0x2C00  }
0x7a: {  	[sflag:s7] =	ssyncset.done $0x0  }
0x7b: {  	[sflag:s7] =	ssyncadd.s32 $0xFFFFD400  }
0x7c: {  	_ =	swait.ge [sflag:s8], $0x2C00  }
0x7d: {  	[sflag:s8] =	ssyncset.done $0x0  }
0x7e: {  	[sflag:s8] =	ssyncadd.s32 $0xFFFFD400  }
0x7f: {  	[tilespmem:s26], [sflag:$0x2] =	stream.strided.gather [hbm4b:s22+s23], $0x2C00, s24, s23, $0x38;
	v63 =	vld [tilespmem:$0x0]  }
0x80: {  	s12 =	simm.s32 $0x280;
	s15 =	simm.s32 $0x100;
	s13 =	simm.s32 $0x268  }
0x81: {  	[spmem:s3] =	stream.indirect.scatter.add.f32 [tilespmem:s28], [sflag:$0x6], $0x80, s15, s2, $0xb8;
	v63 =	vld [tilespmem:$0x0]  }
.LBB2_4:
0x82: {  	p0 =	seq.s32 s13, $0x2788;
	s14 =	sadd.s32 $0xFFFFFF50, s13  }
0x83: {  	_ =	swait.ge [sflag:s31], $0x2C00;
	s14 =	simm.s32 @p0 $0x26B8  }
0x84: {  	[sflag:s31] =	ssyncset.done $0x0;
	s14 =	sadd.s32 s5, s14  }
0x85: {  	[sflag:s31] =	ssyncadd.s32 $0xFFFFD400;
	s14 =	sshll.u32 s14, $0x8  }
0x86: {  	_ =	swait.ge [sflag:s9], $0x2C00;
	s14 =	sor.u32 s6, s14  }
0x87: {  	[sflag:s9] =	ssyncset.done $0x0;
	s14 =	sshrl.u32 s14, $0x3  }
0x88: {  	[sflag:s9] =	ssyncadd.s32 $0xFFFFD400;
	s14 =	sadd.s32 s0, s14  }
0x89: {  	[tilespmem:s28], [sflag:$0x3] =	stream.strided.gather [hbm4b:s14+s23], $0x2C00, s24, s23, $0x38;
	v63 =	vld [tilespmem:$0x0]  }
0x8a: {  	s15 =	sadd.s32 $0xFFFFFF00, s12  }
0x8b: {  	[spmem:s3] =	stream.indirect.scatter.add.f32 [tilespmem:s25], [sflag:$0x4], $0x80, s15, s2, $0xb8;
	v63 =	vld [tilespmem:$0x0]  }
0x8c: {  	_ =	swait.ge [sflag:s1], $0x2C00  }
.Ltmp3:
0x8d: {  	[sflag:s1] =	ssyncset.done $0x0;
	(pc) =	sbr.rel @p0 .LBB2_6-.Ltmp3, $4  }
0x8e: {  	[sflag:s1] =	ssyncadd.s32 $0xFFFFD400  }
0x8f: {  	_ =	swait.ge [sflag:s4], $0x2C00  }
0x90: {  	[sflag:s4] =	ssyncset.done $0x0  }
0x91: {  	s14 =	sadd.s32 $0xFFFFFF80, s12;
	[sflag:s4] =	ssyncadd.s32 $0xFFFFD400  }
0x92: {  	p0 =	seq.s32 s13, $0x2730;
	s15 =	sadd.s32 $0xFFFFFFA8, s13  }
0x93: {  	s15 =	simm.s32 @p0 $0x26B8  }
0x94: {  	s15 =	sadd.s32 s5, s15  }
0x95: {  	s15 =	sshll.u32 s15, $0x8  }
0x96: {  	s15 =	sor.u32 s6, s15  }
0x97: {  	s15 =	sshrl.u32 s15, $0x3  }
0x98: {  	s15 =	sadd.s32 s0, s15  }
0x99: {  	[tilespmem:s25], [sflag:$0x1] =	stream.strided.gather [hbm4b:s15+s23], $0x2C00, s24, s23, $0x38;
	v63 =	vld [tilespmem:$0x0]  }
0x9a: {  	p0 =	seq.s32 s13, $0x26D8  }
0x9b: {  	[spmem:s3] =	stream.indirect.scatter.add.f32 [tilespmem:s26], [sflag:$0x5], $0x80, s14, s2, $0xb8;
	v63 =	vld [tilespmem:$0x0]  }
0x9c: {  	s15 =	sadd.s32 $0x108, s13;
	s13 =	simm.s32 @p0 $0x26B8;
	_ =	swait.ge [sflag:s7], $0x2C00  }
0x9d: {  	s13 =	sadd.s32 s5, s13;
	[sflag:s7] =	ssyncset.done $0x0  }
0x9e: {  	s13 =	sshll.u32 s13, $0x8;
	[sflag:s7] =	ssyncadd.s32 $0xFFFFD400  }
0x9f: {  	s13 =	sor.u32 s6, s13;
	_ =	swait.ge [sflag:s8], $0x2C00  }
0xa0: {  	s13 =	sshrl.u32 s13, $0x3;
	[sflag:s8] =	ssyncset.done $0x0  }
.Ltmp4:
0xa1: {  	s13 =	sadd.s32 s0, s13;
	[sflag:s8] =	ssyncadd.s32 $0xFFFFD400;
	(pc) =	sbr.rel .LBB2_4-.Ltmp4, $4  }
0xa2: {  	[tilespmem:s26], [sflag:$0x2] =	stream.strided.gather [hbm4b:s13+s23], $0x2C00, s24, s23, $0x38;
	v63 =	vld [tilespmem:$0x0]  }
0xa3: {  	_ = 	snop  }
0xa4: {  	[spmem:s3] =	stream.indirect.scatter.add.f32 [tilespmem:s28], [sflag:$0x6], $0x80, s12, s2, $0xb8;
	v63 =	vld [tilespmem:$0x0]  }
0xa5: {  	s13 =	smov.u32 s15;
	s12 =	sadd.s32 $0x180, s12  }
.LBB2_7:
0xa6: {  	_ =	sfence.sel $0x180000  }
0xa7: {  	[bflag:$0x0] =	sbarrier.arrive $0xFFFF  }
0xa8: {  	_ =	strace $0x90000047  }
0xa9: {  	s0 =	stileid.u32;
	[bflag:$0x2] =	sbarrier.arrive $0xFFFF  }
0xaa: {  	p0 =	sne.s32 s0, $0x0;
	s0 =	rddreg [dreg:$0x4]  }
0xab: {  	s0 =	sadd.s32 @!p0 $0x100000, s0  }
0xac: {  	[sflag:s0] =	ssyncadd.tile.s32 @!p0 $0x1;
	_ =	shalt  }
.Lfunc_end2:
_tile_overlayer_lowered:
.L_overlay_start_2:
0xad: {  	(tag) =	ssettag $0x2  }
0xae: {  	s0 =	rddreg [dreg:$0x0];
	s2 =	stileid.u32  }
0xaf: {  	s1 =	rddreg [dreg:$0x1];
	p0 =	sne.s32 s2, $0x0  }
0xb0: {  	s3 =	rddreg [dreg:$0x2];
	[bflag:$0x3] =	sbarrier.arrive $0xFFFF;
	s2 =	simm.s32 @!p0 $0x1C08  }
0xb1: {  	[timem:s3], [sflag:s2] =	dma.local @!p0 [hbm:s0], s1  }
0xb2: {  	s0 =	simm.s32 @!p0 $0x8  }
0xb3: {  	_ =	swait.ge @!p0 [sflag:s0], s1  }
0xb4: {  	s1 =	ssub.s32 @!p0 $0x0, s1;
	[sflag:s0] =	ssyncset.done @!p0 $0x0  }
0xb5: {  	[sflag:s0] =	ssyncadd.s32 @!p0 s1  }
0xb6: {  	[bflag:$0x3] =	sbarrier.arrive $0xFFFF  }
0xb7: {  	_ =	shalt  }

</sc_bundles>
